<compile_context>
chip_gen: v7x
topology: tpu7x:2x2x1
jax: 0.10.2.dev20260603
libtpu: 0.0.44.dev20260713+nightly
codegen_flags: <defaults>
</compile_context>

<pallas_src>
import functools
import math

import jax
import jax.numpy as jnp
from jax import lax
from jax.experimental import pallas as pl
from jax.experimental.pallas import tpu as pltpu
from jax.experimental.pallas import tpu_sc as plsc

BATCH = 16384
C = 3.0
D = 500.0
SCALE = math.log(C) / D

NUM_CORES = 2
NUM_SUBCORES = 16
LANES = 16
NUM_WORKERS = NUM_CORES * NUM_SUBCORES
BPW = BATCH // NUM_WORKERS
GCHUNK = 256
NGCHUNK = BPW // GCHUNK

_mesh = plsc.VectorSubcoreMesh(core_axis_name="c", subcore_axis_name="s")


@functools.partial(
    pl.kernel,
    out_type=jax.ShapeDtypeStruct((BATCH,), jnp.float32),
    mesh=_mesh,
    scratch_types=[
        pltpu.VMEM((BPW,), jnp.int32),
        pltpu.VMEM((BPW,), jnp.int32),
        pltpu.VMEM((BPW,), jnp.float32),
        pltpu.VMEM((BPW,), jnp.float32),
        pltpu.VMEM((BPW,), jnp.float32),
        [pltpu.SemaphoreType.DMA] * NGCHUNK,
        [pltpu.SemaphoreType.DMA] * NGCHUNK,
        pltpu.SemaphoreType.DMA,
    ],
)
def _elo_sc(home_hbm, away_hbm, rating_hbm, out_hbm,
            hidx, aidx, rh, ra, res, isems, gsems, osem):
    wid = lax.axis_index("s") * NUM_CORES + lax.axis_index("c")
    base = wid * BPW

    icp = []
    for j in range(NGCHUNK):
        s = pl.ds(j * GCHUNK, GCHUNK)
        hs = pl.ds(base + j * GCHUNK, GCHUNK)
        icp.append((
            pltpu.async_copy(home_hbm.at[hs], hidx.at[s], isems[j]),
            pltpu.async_copy(away_hbm.at[hs], aidx.at[s], isems[j]),
        ))

    gcp = []
    for j in range(NGCHUNK):
        s = pl.ds(j * GCHUNK, GCHUNK)
        icp[j][0].wait()
        icp[j][1].wait()
        gcp.append((
            pltpu.async_copy(rating_hbm.at[hidx.at[s]], rh.at[s], gsems[j]),
            pltpu.async_copy(rating_hbm.at[aidx.at[s]], ra.at[s], gsems[j]),
        ))

    ocp = []
    for j in range(NGCHUNK):
        gcp[j][0].wait()
        gcp[j][1].wait()
        for k in range(GCHUNK // LANES):
            s = pl.ds(j * GCHUNK + k * LANES, LANES)
            e = jnp.exp((ra[s] - rh[s]) * SCALE)
            res[s] = 1.0 / (1.0 + e)
        s = pl.ds(j * GCHUNK, GCHUNK)
        ocp.append(pltpu.async_copy(
            res.at[s], out_hbm.at[pl.ds(base + j * GCHUNK, GCHUNK)], osem))
    for cp in ocp:
        cp.wait()


def kernel(home, away, rating):
    return _elo_sc(home.astype(jnp.int32), away.astype(jnp.int32), rating)

# --- scband reference (transcript-rebuilt; emitter-appended) ---
"""Pipeline reference for scband-elo-model-77257871720518 (READ-ONLY COPY).

The authoritative reference and input builder live on the scoring server;
editing this copy changes nothing except your own understanding.
"""

import jax, jax.numpy as jnp
import numpy as np

TEAM_COUNT = 1000000
BATCH = 16384
DEFAULT = 1000.0
C = 3.0
D = 500.0


def setup_inputs(seed: int = 0) -> dict:
    key = jax.random.key(seed)
    k1, k2, k3 = jax.random.split(key, 3)
    home = jax.random.randint(k1, (BATCH,), 0, TEAM_COUNT)
    away = jax.random.randint(k2, (BATCH,), 0, TEAM_COUNT)
    # learned rating table (nn.Parameter of shape [team_count]); add small spread
    rating = DEFAULT + 50.0 * jax.random.normal(k3, (TEAM_COUNT,), dtype=jnp.float32)
    return {"home": home, "away": away, "rating": rating}


def reference(home, away, rating):
    # Elo expected home-win probability:
    #   E_H = 1 / (1 + c ** ((rating[away] - rating[home]) / d))
    r_home = jnp.take(rating, home, axis=0)
    r_away = jnp.take(rating, away, axis=0)
    exponent = (r_away - r_home) / D
    E_H = 1.0 / (1.0 + jnp.power(jnp.float32(C), exponent))
    return E_H

if __name__ == "__main__":
    import jax
    _d = setup_inputs()
    print(jax.jit(kernel)(*tuple(_d.values())))

</pallas_src>

<mosaic_0001>
#map = affine_map<(d0, d1) -> (0)>
module attributes {stable_mosaic.version = 14 : i64} {
  func.func @_elo_sc(%arg0: i32, %arg1: i32, %arg2: memref<16384xi32, #tpu.memory_space<hbm>>, %arg3: memref<16384xi32, #tpu.memory_space<hbm>>, %arg4: memref<1000000xf32, #tpu.memory_space<hbm>>, %arg5: memref<16384xf32, #tpu.memory_space<hbm>>, %arg6: memref<512xi32, #tpu.memory_space<vmem>>, %arg7: memref<512xi32, #tpu.memory_space<vmem>>, %arg8: memref<512xf32, #tpu.memory_space<vmem>>, %arg9: memref<512xf32, #tpu.memory_space<vmem>>, %arg10: memref<512xf32, #tpu.memory_space<vmem>>, %arg11: memref<!tpu.dma_semaphore, #tpu.memory_space<semaphore_mem>>, %arg12: memref<!tpu.dma_semaphore, #tpu.memory_space<semaphore_mem>>, %arg13: memref<!tpu.dma_semaphore, #tpu.memory_space<semaphore_mem>>, %arg14: memref<!tpu.dma_semaphore, #tpu.memory_space<semaphore_mem>>, %arg15: memref<!tpu.dma_semaphore, #tpu.memory_space<semaphore_mem>>) attributes {dimension_semantics = [#tpu.dimension_semantics<core_parallel>, #tpu.dimension_semantics<subcore_parallel>], iteration_bounds = array<i64: 2, 16>, scalar_prefetch = 0 : i64, scratch_operands = 10 : i64, tpu.core_type = #tpu.core_type<sc_vector_subcore>, window_params = [{transform_indices = #map}, {transform_indices = #map}, {transform_indices = #map}, {transform_indices = #map}]} {
    %mul3A = arith.constant 2 : i32
    %mul3A_0 = arith.muli %arg1, %mul3A : i32
    %add3A = arith.addi %mul3A_0, %arg0 : i32
    %mul3A_1 = arith.constant 512 : i32
    %mul3A_2 = arith.muli %add3A, %mul3A_1 : i32
    %add3A_3 = arith.constant 0 : i32
    %add3A_4 = arith.addi %mul3A_2, %add3A_3 : i32
    %dma_start3A = arith.constant 0 : i32
    %dma_start3A_5 = tpu.memref_slice %arg6[%dma_start3A] : memref<512xi32, #tpu.memory_space<vmem>> -> memref<256xi32, #tpu.memory_space<vmem>>
    %dma_start3A_6 = tpu.memref_slice %arg2[%add3A_4] : memref<16384xi32, #tpu.memory_space<hbm>> -> memref<256xi32, #tpu.memory_space<hbm>>
    %dma_start3A_7 = arith.constant 0 : i32
    %dma_start3A_8 = tpu.memref_slice %arg6[%dma_start3A_7] : memref<512xi32, #tpu.memory_space<vmem>> -> memref<256xi32, #tpu.memory_space<vmem>>
    %dma_start3A_9 = tpu.memref_slice %arg2[%add3A_4] : memref<16384xi32, #tpu.memory_space<hbm>> -> memref<256xi32, #tpu.memory_space<hbm>>
    tpu.enqueue_dma source(%dma_start3A_9 : memref<256xi32, #tpu.memory_space<hbm>>) target(%dma_start3A_8 : memref<256xi32, #tpu.memory_space<vmem>>) target_semaphore(%arg11 : memref<!tpu.dma_semaphore, #tpu.memory_space<semaphore_mem>>)
    %dma_start3A_10 = arith.constant 0 : i32
    %dma_start3A_11 = tpu.memref_slice %arg7[%dma_start3A_10] : memref<512xi32, #tpu.memory_space<vmem>> -> memref<256xi32, #tpu.memory_space<vmem>>
    %dma_start3A_12 = tpu.memref_slice %arg3[%add3A_4] : memref<16384xi32, #tpu.memory_space<hbm>> -> memref<256xi32, #tpu.memory_space<hbm>>
    %dma_start3A_13 = arith.constant 0 : i32
    %dma_start3A_14 = tpu.memref_slice %arg7[%dma_start3A_13] : memref<512xi32, #tpu.memory_space<vmem>> -> memref<256xi32, #tpu.memory_space<vmem>>
    %dma_start3A_15 = tpu.memref_slice %arg3[%add3A_4] : memref<16384xi32, #tpu.memory_space<hbm>> -> memref<256xi32, #tpu.memory_space<hbm>>
    tpu.enqueue_dma source(%dma_start3A_15 : memref<256xi32, #tpu.memory_space<hbm>>) target(%dma_start3A_14 : memref<256xi32, #tpu.memory_space<vmem>>) target_semaphore(%arg11 : memref<!tpu.dma_semaphore, #tpu.memory_space<semaphore_mem>>)
    %add3A_16 = arith.constant 256 : i32
    %add3A_17 = arith.addi %mul3A_2, %add3A_16 : i32
    %dma_start3A_18 = arith.constant 256 : i32
    %dma_start3A_19 = tpu.memref_slice %arg6[%dma_start3A_18] : memref<512xi32, #tpu.memory_space<vmem>> -> memref<256xi32, #tpu.memory_space<vmem>>
    %dma_start3A_20 = tpu.memref_slice %arg2[%add3A_17] : memref<16384xi32, #tpu.memory_space<hbm>> -> memref<256xi32, #tpu.memory_space<hbm>>
    %dma_start3A_21 = arith.constant 256 : i32
    %dma_start3A_22 = tpu.memref_slice %arg6[%dma_start3A_21] : memref<512xi32, #tpu.memory_space<vmem>> -> memref<256xi32, #tpu.memory_space<vmem>>
    %dma_start3A_23 = tpu.memref_slice %arg2[%add3A_17] : memref<16384xi32, #tpu.memory_space<hbm>> -> memref<256xi32, #tpu.memory_space<hbm>>
    tpu.enqueue_dma source(%dma_start3A_23 : memref<256xi32, #tpu.memory_space<hbm>>) target(%dma_start3A_22 : memref<256xi32, #tpu.memory_space<vmem>>) target_semaphore(%arg12 : memref<!tpu.dma_semaphore, #tpu.memory_space<semaphore_mem>>)
    %dma_start3A_24 = arith.constant 256 : i32
    %dma_start3A_25 = tpu.memref_slice %arg7[%dma_start3A_24] : memref<512xi32, #tpu.memory_space<vmem>> -> memref<256xi32, #tpu.memory_space<vmem>>
    %dma_start3A_26 = tpu.memref_slice %arg3[%add3A_17] : memref<16384xi32, #tpu.memory_space<hbm>> -> memref<256xi32, #tpu.memory_space<hbm>>
    %dma_start3A_27 = arith.constant 256 : i32
    %dma_start3A_28 = tpu.memref_slice %arg7[%dma_start3A_27] : memref<512xi32, #tpu.memory_space<vmem>> -> memref<256xi32, #tpu.memory_space<vmem>>
    %dma_start3A_29 = tpu.memref_slice %arg3[%add3A_17] : memref<16384xi32, #tpu.memory_space<hbm>> -> memref<256xi32, #tpu.memory_space<hbm>>
    tpu.enqueue_dma source(%dma_start3A_29 : memref<256xi32, #tpu.memory_space<hbm>>) target(%dma_start3A_28 : memref<256xi32, #tpu.memory_space<vmem>>) target_semaphore(%arg12 : memref<!tpu.dma_semaphore, #tpu.memory_space<semaphore_mem>>)
    %dma_wait3A = arith.constant 0 : i32
    %dma_wait3A_30 = tpu.memref_slice %arg6[%dma_wait3A] : memref<512xi32, #tpu.memory_space<vmem>> -> memref<256xi32, #tpu.memory_space<vmem>>
    %dma_wait3A_31 = tpu.memref_slice %arg2[%add3A_4] : memref<16384xi32, #tpu.memory_space<hbm>> -> memref<256xi32, #tpu.memory_space<hbm>>
    %dma_wait3A_32 = arith.constant 0 : i32
    %dma_wait3A_33 = tpu.memref_slice %arg6[%dma_wait3A_32] : memref<512xi32, #tpu.memory_space<vmem>> -> memref<256xi32, #tpu.memory_space<vmem>>
    %dma_wait3A_34 = tpu.memref_slice %arg2[%add3A_4] : memref<16384xi32, #tpu.memory_space<hbm>> -> memref<256xi32, #tpu.memory_space<hbm>>
    tpu.wait_dma2 semaphore(%arg11 : memref<!tpu.dma_semaphore, #tpu.memory_space<semaphore_mem>>) src(%dma_wait3A_34 : memref<256xi32, #tpu.memory_space<hbm>>) dst(%dma_wait3A_33 : memref<256xi32, #tpu.memory_space<vmem>>)
    %dma_wait3A_35 = arith.constant 0 : i32
    %dma_wait3A_36 = tpu.memref_slice %arg7[%dma_wait3A_35] : memref<512xi32, #tpu.memory_space<vmem>> -> memref<256xi32, #tpu.memory_space<vmem>>
    %dma_wait3A_37 = tpu.memref_slice %arg3[%add3A_4] : memref<16384xi32, #tpu.memory_space<hbm>> -> memref<256xi32, #tpu.memory_space<hbm>>
    %dma_wait3A_38 = arith.constant 0 : i32
    %dma_wait3A_39 = tpu.memref_slice %arg7[%dma_wait3A_38] : memref<512xi32, #tpu.memory_space<vmem>> -> memref<256xi32, #tpu.memory_space<vmem>>
    %dma_wait3A_40 = tpu.memref_slice %arg3[%add3A_4] : memref<16384xi32, #tpu.memory_space<hbm>> -> memref<256xi32, #tpu.memory_space<hbm>>
    tpu.wait_dma2 semaphore(%arg11 : memref<!tpu.dma_semaphore, #tpu.memory_space<semaphore_mem>>) src(%dma_wait3A_40 : memref<256xi32, #tpu.memory_space<hbm>>) dst(%dma_wait3A_39 : memref<256xi32, #tpu.memory_space<vmem>>)
    %dma_start3A_41 = arith.constant 0 : i32
    %dma_start3A_42 = tpu.memref_slice %arg8[%dma_start3A_41] : memref<512xf32, #tpu.memory_space<vmem>> -> memref<256xf32, #tpu.memory_space<vmem>>
    %dma_start3A_43 = arith.constant 0 : i32
    %dma_start3A_44 = tpu.memref_slice %arg6[%dma_start3A_43] : memref<512xi32, #tpu.memory_space<vmem>> -> memref<256xi32, #tpu.memory_space<vmem>>
    %dma_start3A_45 = arith.constant 0 : i32
    %dma_start3A_46 = tpu.memref_slice %arg4[%dma_start3A_45] : memref<1000000xf32, #tpu.memory_space<hbm>> -> memref<1000000xf32, #tpu.memory_space<hbm>>
    tpu.enqueue_indirect_dma source(%dma_start3A_46 : memref<1000000xf32, #tpu.memory_space<hbm>>) target(%dma_start3A_42 : memref<256xf32, #tpu.memory_space<vmem>>) offsets(%dma_start3A_44 : memref<256xi32, #tpu.memory_space<vmem>>) semaphore(%arg13 : memref<!tpu.dma_semaphore, #tpu.memory_space<semaphore_mem>>)
    %dma_start3A_47 = arith.constant 0 : i32
    %dma_start3A_48 = tpu.memref_slice %arg9[%dma_start3A_47] : memref<512xf32, #tpu.memory_space<vmem>> -> memref<256xf32, #tpu.memory_space<vmem>>
    %dma_start3A_49 = arith.constant 0 : i32
    %dma_start3A_50 = tpu.memref_slice %arg7[%dma_start3A_49] : memref<512xi32, #tpu.memory_space<vmem>> -> memref<256xi32, #tpu.memory_space<vmem>>
    %dma_start3A_51 = arith.constant 0 : i32
    %dma_start3A_52 = tpu.memref_slice %arg4[%dma_start3A_51] : memref<1000000xf32, #tpu.memory_space<hbm>> -> memref<1000000xf32, #tpu.memory_space<hbm>>
    tpu.enqueue_indirect_dma source(%dma_start3A_52 : memref<1000000xf32, #tpu.memory_space<hbm>>) target(%dma_start3A_48 : memref<256xf32, #tpu.memory_space<vmem>>) offsets(%dma_start3A_50 : memref<256xi32, #tpu.memory_space<vmem>>) semaphore(%arg13 : memref<!tpu.dma_semaphore, #tpu.memory_space<semaphore_mem>>)
    %dma_wait3A_53 = arith.constant 256 : i32
    %dma_wait3A_54 = tpu.memref_slice %arg6[%dma_wait3A_53] : memref<512xi32, #tpu.memory_space<vmem>> -> memref<256xi32, #tpu.memory_space<vmem>>
    %dma_wait3A_55 = tpu.memref_slice %arg2[%add3A_17] : memref<16384xi32, #tpu.memory_space<hbm>> -> memref<256xi32, #tpu.memory_space<hbm>>
    %dma_wait3A_56 = arith.constant 256 : i32
    %dma_wait3A_57 = tpu.memref_slice %arg6[%dma_wait3A_56] : memref<512xi32, #tpu.memory_space<vmem>> -> memref<256xi32, #tpu.memory_space<vmem>>
    %dma_wait3A_58 = tpu.memref_slice %arg2[%add3A_17] : memref<16384xi32, #tpu.memory_space<hbm>> -> memref<256xi32, #tpu.memory_space<hbm>>
    tpu.wait_dma2 semaphore(%arg12 : memref<!tpu.dma_semaphore, #tpu.memory_space<semaphore_mem>>) src(%dma_wait3A_58 : memref<256xi32, #tpu.memory_space<hbm>>) dst(%dma_wait3A_57 : memref<256xi32, #tpu.memory_space<vmem>>)
    %dma_wait3A_59 = arith.constant 256 : i32
    %dma_wait3A_60 = tpu.memref_slice %arg7[%dma_wait3A_59] : memref<512xi32, #tpu.memory_space<vmem>> -> memref<256xi32, #tpu.memory_space<vmem>>
    %dma_wait3A_61 = tpu.memref_slice %arg3[%add3A_17] : memref<16384xi32, #tpu.memory_space<hbm>> -> memref<256xi32, #tpu.memory_space<hbm>>
    %dma_wait3A_62 = arith.constant 256 : i32
    %dma_wait3A_63 = tpu.memref_slice %arg7[%dma_wait3A_62] : memref<512xi32, #tpu.memory_space<vmem>> -> memref<256xi32, #tpu.memory_space<vmem>>
    %dma_wait3A_64 = tpu.memref_slice %arg3[%add3A_17] : memref<16384xi32, #tpu.memory_space<hbm>> -> memref<256xi32, #tpu.memory_space<hbm>>
    tpu.wait_dma2 semaphore(%arg12 : memref<!tpu.dma_semaphore, #tpu.memory_space<semaphore_mem>>) src(%dma_wait3A_64 : memref<256xi32, #tpu.memory_space<hbm>>) dst(%dma_wait3A_63 : memref<256xi32, #tpu.memory_space<vmem>>)
    %dma_start3A_65 = arith.constant 256 : i32
    %dma_start3A_66 = tpu.memref_slice %arg8[%dma_start3A_65] : memref<512xf32, #tpu.memory_space<vmem>> -> memref<256xf32, #tpu.memory_space<vmem>>
    %dma_start3A_67 = arith.constant 256 : i32
    %dma_start3A_68 = tpu.memref_slice %arg6[%dma_start3A_67] : memref<512xi32, #tpu.memory_space<vmem>> -> memref<256xi32, #tpu.memory_space<vmem>>
    %dma_start3A_69 = arith.constant 0 : i32
    %dma_start3A_70 = tpu.memref_slice %arg4[%dma_start3A_69] : memref<1000000xf32, #tpu.memory_space<hbm>> -> memref<1000000xf32, #tpu.memory_space<hbm>>
    tpu.enqueue_indirect_dma source(%dma_start3A_70 : memref<1000000xf32, #tpu.memory_space<hbm>>) target(%dma_start3A_66 : memref<256xf32, #tpu.memory_space<vmem>>) offsets(%dma_start3A_68 : memref<256xi32, #tpu.memory_space<vmem>>) semaphore(%arg14 : memref<!tpu.dma_semaphore, #tpu.memory_space<semaphore_mem>>)
    %dma_start3A_71 = arith.constant 256 : i32
    %dma_start3A_72 = tpu.memref_slice %arg9[%dma_start3A_71] : memref<512xf32, #tpu.memory_space<vmem>> -> memref<256xf32, #tpu.memory_space<vmem>>
    %dma_start3A_73 = arith.constant 256 : i32
    %dma_start3A_74 = tpu.memref_slice %arg7[%dma_start3A_73] : memref<512xi32, #tpu.memory_space<vmem>> -> memref<256xi32, #tpu.memory_space<vmem>>
    %dma_start3A_75 = arith.constant 0 : i32
    %dma_start3A_76 = tpu.memref_slice %arg4[%dma_start3A_75] : memref<1000000xf32, #tpu.memory_space<hbm>> -> memref<1000000xf32, #tpu.memory_space<hbm>>
    tpu.enqueue_indirect_dma source(%dma_start3A_76 : memref<1000000xf32, #tpu.memory_space<hbm>>) target(%dma_start3A_72 : memref<256xf32, #tpu.memory_space<vmem>>) offsets(%dma_start3A_74 : memref<256xi32, #tpu.memory_space<vmem>>) semaphore(%arg14 : memref<!tpu.dma_semaphore, #tpu.memory_space<semaphore_mem>>)
    %dma_wait3A_77 = arith.constant 0 : i32
    %dma_wait3A_78 = tpu.memref_slice %arg8[%dma_wait3A_77] : memref<512xf32, #tpu.memory_space<vmem>> -> memref<256xf32, #tpu.memory_space<vmem>>
    %dma_wait3A_79 = arith.constant 0 : i32
    %dma_wait3A_80 = tpu.memref_slice %arg6[%dma_wait3A_79] : memref<512xi32, #tpu.memory_space<vmem>> -> memref<256xi32, #tpu.memory_space<vmem>>
    %dma_wait3A_81 = arith.constant 0 : i32
    %dma_wait3A_82 = tpu.memref_slice %arg4[%dma_wait3A_81] : memref<1000000xf32, #tpu.memory_space<hbm>> -> memref<1000000xf32, #tpu.memory_space<hbm>>
    tpu.wait_indirect_dma semaphore(%arg13 : memref<!tpu.dma_semaphore, #tpu.memory_space<semaphore_mem>>) src(%dma_wait3A_82 : memref<1000000xf32, #tpu.memory_space<hbm>>) dst(%dma_wait3A_78 : memref<256xf32, #tpu.memory_space<vmem>>)
    %dma_wait3A_83 = arith.constant 0 : i32
    %dma_wait3A_84 = tpu.memref_slice %arg9[%dma_wait3A_83] : memref<512xf32, #tpu.memory_space<vmem>> -> memref<256xf32, #tpu.memory_space<vmem>>
    %dma_wait3A_85 = arith.constant 0 : i32
    %dma_wait3A_86 = tpu.memref_slice %arg7[%dma_wait3A_85] : memref<512xi32, #tpu.memory_space<vmem>> -> memref<256xi32, #tpu.memory_space<vmem>>
    %dma_wait3A_87 = arith.constant 0 : i32
    %dma_wait3A_88 = tpu.memref_slice %arg4[%dma_wait3A_87] : memref<1000000xf32, #tpu.memory_space<hbm>> -> memref<1000000xf32, #tpu.memory_space<hbm>>
    tpu.wait_indirect_dma semaphore(%arg13 : memref<!tpu.dma_semaphore, #tpu.memory_space<semaphore_mem>>) src(%dma_wait3A_88 : memref<1000000xf32, #tpu.memory_space<hbm>>) dst(%dma_wait3A_84 : memref<256xf32, #tpu.memory_space<vmem>>)
    %get3A = arith.constant 0 : index
    %get3A_89 = tpu.vector_load %arg9[%get3A] {strides = array<i32>} : memref<512xf32, #tpu.memory_space<vmem>>, vector<16xf32>,
    %get3A_90 = vector.shape_cast %get3A_89 : vector<16xf32> to vector<16xf32>
    %get3A_91 = arith.constant 0 : index
    %get3A_92 = tpu.vector_load %arg8[%get3A_91] {strides = array<i32>} : memref<512xf32, #tpu.memory_space<vmem>>, vector<16xf32>,
    %get3A_93 = vector.shape_cast %get3A_92 : vector<16xf32> to vector<16xf32>
    %sub3A = arith.subf %get3A_90, %get3A_93 : vector<16xf32>
    %mul3A_94 = arith.constant 0.00219722465 : f32
    %mul3A_95 = vector.broadcast %mul3A_94 : f32 to vector<16xf32>
    %mul3A_96 = arith.mulf %sub3A, %mul3A_95 : vector<16xf32>
    %exp3A = math.exp %mul3A_96 : vector<16xf32>
    %add3A_97 = arith.constant 1.000000e+00 : f32
    %add3A_98 = vector.broadcast %add3A_97 : f32 to vector<16xf32>
    %add3A_99 = arith.addf %add3A_98, %exp3A : vector<16xf32>
    %div3A = arith.constant 1.000000e+00 : f32
    %div3A_100 = vector.broadcast %div3A : f32 to vector<16xf32>
    %div3A_101 = arith.divf %div3A_100, %add3A_99 : vector<16xf32>
    %swap3A = arith.constant 0 : index
    %swap3A_102 = tpu.vector_load %arg10[%swap3A] {strides = array<i32>} : memref<512xf32, #tpu.memory_space<vmem>>, vector<16xf32>,
    %swap3A_103 = vector.shape_cast %swap3A_102 : vector<16xf32> to vector<16xf32>
    %swap3A_104 = vector.shape_cast %div3A_101 : vector<16xf32> to vector<16xf32>
    tpu.vector_store %arg10[%swap3A], %swap3A_104 {strides = array<i32>} : memref<512xf32, #tpu.memory_space<vmem>>, vector<16xf32>,
    %get3A_105 = arith.constant 16 : index
    %get3A_106 = tpu.vector_load %arg9[%get3A_105] {strides = array<i32>} : memref<512xf32, #tpu.memory_space<vmem>>, vector<16xf32>,
    %get3A_107 = vector.shape_cast %get3A_106 : vector<16xf32> to vector<16xf32>
    %get3A_108 = arith.constant 16 : index
    %get3A_109 = tpu.vector_load %arg8[%get3A_108] {strides = array<i32>} : memref<512xf32, #tpu.memory_space<vmem>>, vector<16xf32>,
    %get3A_110 = vector.shape_cast %get3A_109 : vector<16xf32> to vector<16xf32>
    %sub3A_111 = arith.subf %get3A_107, %get3A_110 : vector<16xf32>
    %mul3A_112 = arith.constant 0.00219722465 : f32
    %mul3A_113 = vector.broadcast %mul3A_112 : f32 to vector<16xf32>
    %mul3A_114 = arith.mulf %sub3A_111, %mul3A_113 : vector<16xf32>
    %exp3A_115 = math.exp %mul3A_114 : vector<16xf32>
    %add3A_116 = arith.constant 1.000000e+00 : f32
    %add3A_117 = vector.broadcast %add3A_116 : f32 to vector<16xf32>
    %add3A_118 = arith.addf %add3A_117, %exp3A_115 : vector<16xf32>
    %div3A_119 = arith.constant 1.000000e+00 : f32
    %div3A_120 = vector.broadcast %div3A_119 : f32 to vector<16xf32>
    %div3A_121 = arith.divf %div3A_120, %add3A_118 : vector<16xf32>
    %swap3A_122 = arith.constant 16 : index
    %swap3A_123 = tpu.vector_load %arg10[%swap3A_122] {strides = array<i32>} : memref<512xf32, #tpu.memory_space<vmem>>, vector<16xf32>,
    %swap3A_124 = vector.shape_cast %swap3A_123 : vector<16xf32> to vector<16xf32>
    %swap3A_125 = vector.shape_cast %div3A_121 : vector<16xf32> to vector<16xf32>
    tpu.vector_store %arg10[%swap3A_122], %swap3A_125 {strides = array<i32>} : memref<512xf32, #tpu.memory_space<vmem>>, vector<16xf32>,
    %get3A_126 = arith.constant 32 : index
    %get3A_127 = tpu.vector_load %arg9[%get3A_126] {strides = array<i32>} : memref<512xf32, #tpu.memory_space<vmem>>, vector<16xf32>,
    %get3A_128 = vector.shape_cast %get3A_127 : vector<16xf32> to vector<16xf32>
    %get3A_129 = arith.constant 32 : index
    %get3A_130 = tpu.vector_load %arg8[%get3A_129] {strides = array<i32>} : memref<512xf32, #tpu.memory_space<vmem>>, vector<16xf32>,
    %get3A_131 = vector.shape_cast %get3A_130 : vector<16xf32> to vector<16xf32>
    %sub3A_132 = arith.subf %get3A_128, %get3A_131 : vector<16xf32>
    %mul3A_133 = arith.constant 0.00219722465 : f32
    %mul3A_134 = vector.broadcast %mul3A_133 : f32 to vector<16xf32>
    %mul3A_135 = arith.mulf %sub3A_132, %mul3A_134 : vector<16xf32>
    %exp3A_136 = math.exp %mul3A_135 : vector<16xf32>
    %add3A_137 = arith.constant 1.000000e+00 : f32
    %add3A_138 = vector.broadcast %add3A_137 : f32 to vector<16xf32>
    %add3A_139 = arith.addf %add3A_138, %exp3A_136 : vector<16xf32>
    %div3A_140 = arith.constant 1.000000e+00 : f32
    %div3A_141 = vector.broadcast %div3A_140 : f32 to vector<16xf32>
    %div3A_142 = arith.divf %div3A_141, %add3A_139 : vector<16xf32>
    %swap3A_143 = arith.constant 32 : index
    %swap3A_144 = tpu.vector_load %arg10[%swap3A_143] {strides = array<i32>} : memref<512xf32, #tpu.memory_space<vmem>>, vector<16xf32>,
    %swap3A_145 = vector.shape_cast %swap3A_144 : vector<16xf32> to vector<16xf32>
    %swap3A_146 = vector.shape_cast %div3A_142 : vector<16xf32> to vector<16xf32>
    tpu.vector_store %arg10[%swap3A_143], %swap3A_146 {strides = array<i32>} : memref<512xf32, #tpu.memory_space<vmem>>, vector<16xf32>,
    %get3A_147 = arith.constant 48 : index
    %get3A_148 = tpu.vector_load %arg9[%get3A_147] {strides = array<i32>} : memref<512xf32, #tpu.memory_space<vmem>>, vector<16xf32>,
    %get3A_149 = vector.shape_cast %get3A_148 : vector<16xf32> to vector<16xf32>
    %get3A_150 = arith.constant 48 : index
    %get3A_151 = tpu.vector_load %arg8[%get3A_150] {strides = array<i32>} : memref<512xf32, #tpu.memory_space<vmem>>, vector<16xf32>,
    %get3A_152 = vector.shape_cast %get3A_151 : vector<16xf32> to vector<16xf32>
    %sub3A_153 = arith.subf %get3A_149, %get3A_152 : vector<16xf32>
    %mul3A_154 = arith.constant 0.00219722465 : f32
    %mul3A_155 = vector.broadcast %mul3A_154 : f32 to vector<16xf32>
    %mul3A_156 = arith.mulf %sub3A_153, %mul3A_155 : vector<16xf32>
    %exp3A_157 = math.exp %mul3A_156 : vector<16xf32>
    %add3A_158 = arith.constant 1.000000e+00 : f32
    %add3A_159 = vector.broadcast %add3A_158 : f32 to vector<16xf32>
    %add3A_160 = arith.addf %add3A_159, %exp3A_157 : vector<16xf32>
    %div3A_161 = arith.constant 1.000000e+00 : f32
    %div3A_162 = vector.broadcast %div3A_161 : f32 to vector<16xf32>
    %div3A_163 = arith.divf %div3A_162, %add3A_160 : vector<16xf32>
    %swap3A_164 = arith.constant 48 : index
    %swap3A_165 = tpu.vector_load %arg10[%swap3A_164] {strides = array<i32>} : memref<512xf32, #tpu.memory_space<vmem>>, vector<16xf32>,
    %swap3A_166 = vector.shape_cast %swap3A_165 : vector<16xf32> to vector<16xf32>
    %swap3A_167 = vector.shape_cast %div3A_163 : vector<16xf32> to vector<16xf32>
    tpu.vector_store %arg10[%swap3A_164], %swap3A_167 {strides = array<i32>} : memref<512xf32, #tpu.memory_space<vmem>>, vector<16xf32>,
    %get3A_168 = arith.constant 64 : index
    %get3A_169 = tpu.vector_load %arg9[%get3A_168] {strides = array<i32>} : memref<512xf32, #tpu.memory_space<vmem>>, vector<16xf32>,
    %get3A_170 = vector.shape_cast %get3A_169 : vector<16xf32> to vector<16xf32>
    %get3A_171 = arith.constant 64 : index
    %get3A_172 = tpu.vector_load %arg8[%get3A_171] {strides = array<i32>} : memref<512xf32, #tpu.memory_space<vmem>>, vector<16xf32>,
    %get3A_173 = vector.shape_cast %get3A_172 : vector<16xf32> to vector<16xf32>
    %sub3A_174 = arith.subf %get3A_170, %get3A_173 : vector<16xf32>
    %mul3A_175 = arith.constant 0.00219722465 : f32
    %mul3A_176 = vector.broadcast %mul3A_175 : f32 to vector<16xf32>
    %mul3A_177 = arith.mulf %sub3A_174, %mul3A_176 : vector<16xf32>
    %exp3A_178 = math.exp %mul3A_177 : vector<16xf32>
    %add3A_179 = arith.constant 1.000000e+00 : f32
    %add3A_180 = vector.broadcast %add3A_179 : f32 to vector<16xf32>
    %add3A_181 = arith.addf %add3A_180, %exp3A_178 : vector<16xf32>
    %div3A_182 = arith.constant 1.000000e+00 : f32
    %div3A_183 = vector.broadcast %div3A_182 : f32 to vector<16xf32>
    %div3A_184 = arith.divf %div3A_183, %add3A_181 : vector<16xf32>
    %swap3A_185 = arith.constant 64 : index
    %swap3A_186 = tpu.vector_load %arg10[%swap3A_185] {strides = array<i32>} : memref<512xf32, #tpu.memory_space<vmem>>, vector<16xf32>,
    %swap3A_187 = vector.shape_cast %swap3A_186 : vector<16xf32> to vector<16xf32>
    %swap3A_188 = vector.shape_cast %div3A_184 : vector<16xf32> to vector<16xf32>
    tpu.vector_store %arg10[%swap3A_185], %swap3A_188 {strides = array<i32>} : memref<512xf32, #tpu.memory_space<vmem>>, vector<16xf32>,
    %get3A_189 = arith.constant 80 : index
    %get3A_190 = tpu.vector_load %arg9[%get3A_189] {strides = array<i32>} : memref<512xf32, #tpu.memory_space<vmem>>, vector<16xf32>,
    %get3A_191 = vector.shape_cast %get3A_190 : vector<16xf32> to vector<16xf32>
    %get3A_192 = arith.constant 80 : index
    %get3A_193 = tpu.vector_load %arg8[%get3A_192] {strides = array<i32>} : memref<512xf32, #tpu.memory_space<vmem>>, vector<16xf32>,
    %get3A_194 = vector.shape_cast %get3A_193 : vector<16xf32> to vector<16xf32>
    %sub3A_195 = arith.subf %get3A_191, %get3A_194 : vector<16xf32>
    %mul3A_196 = arith.constant 0.00219722465 : f32
    %mul3A_197 = vector.broadcast %mul3A_196 : f32 to vector<16xf32>
    %mul3A_198 = arith.mulf %sub3A_195, %mul3A_197 : vector<16xf32>
    %exp3A_199 = math.exp %mul3A_198 : vector<16xf32>
    %add3A_200 = arith.constant 1.000000e+00 : f32
    %add3A_201 = vector.broadcast %add3A_200 : f32 to vector<16xf32>
    %add3A_202 = arith.addf %add3A_201, %exp3A_199 : vector<16xf32>
    %div3A_203 = arith.constant 1.000000e+00 : f32
    %div3A_204 = vector.broadcast %div3A_203 : f32 to vector<16xf32>
    %div3A_205 = arith.divf %div3A_204, %add3A_202 : vector<16xf32>
    %swap3A_206 = arith.constant 80 : index
    %swap3A_207 = tpu.vector_load %arg10[%swap3A_206] {strides = array<i32>} : memref<512xf32, #tpu.memory_space<vmem>>, vector<16xf32>,
    %swap3A_208 = vector.shape_cast %swap3A_207 : vector<16xf32> to vector<16xf32>
    %swap3A_209 = vector.shape_cast %div3A_205 : vector<16xf32> to vector<16xf32>
    tpu.vector_store %arg10[%swap3A_206], %swap3A_209 {strides = array<i32>} : memref<512xf32, #tpu.memory_space<vmem>>, vector<16xf32>,
    %get3A_210 = arith.constant 96 : index
    %get3A_211 = tpu.vector_load %arg9[%get3A_210] {strides = array<i32>} : memref<512xf32, #tpu.memory_space<vmem>>, vector<16xf32>,
    %get3A_212 = vector.shape_cast %get3A_211 : vector<16xf32> to vector<16xf32>
    %get3A_213 = arith.constant 96 : index
    %get3A_214 = tpu.vector_load %arg8[%get3A_213] {strides = array<i32>} : memref<512xf32, #tpu.memory_space<vmem>>, vector<16xf32>,
    %get3A_215 = vector.shape_cast %get3A_214 : vector<16xf32> to vector<16xf32>
    %sub3A_216 = arith.subf %get3A_212, %get3A_215 : vector<16xf32>
    %mul3A_217 = arith.constant 0.00219722465 : f32
    %mul3A_218 = vector.broadcast %mul3A_217 : f32 to vector<16xf32>
    %mul3A_219 = arith.mulf %sub3A_216, %mul3A_218 : vector<16xf32>
    %exp3A_220 = math.exp %mul3A_219 : vector<16xf32>
    %add3A_221 = arith.constant 1.000000e+00 : f32
    %add3A_222 = vector.broadcast %add3A_221 : f32 to vector<16xf32>
    %add3A_223 = arith.addf %add3A_222, %exp3A_220 : vector<16xf32>
    %div3A_224 = arith.constant 1.000000e+00 : f32
    %div3A_225 = vector.broadcast %div3A_224 : f32 to vector<16xf32>
    %div3A_226 = arith.divf %div3A_225, %add3A_223 : vector<16xf32>
    %swap3A_227 = arith.constant 96 : index
    %swap3A_228 = tpu.vector_load %arg10[%swap3A_227] {strides = array<i32>} : memref<512xf32, #tpu.memory_space<vmem>>, vector<16xf32>,
    %swap3A_229 = vector.shape_cast %swap3A_228 : vector<16xf32> to vector<16xf32>
    %swap3A_230 = vector.shape_cast %div3A_226 : vector<16xf32> to vector<16xf32>
    tpu.vector_store %arg10[%swap3A_227], %swap3A_230 {strides = array<i32>} : memref<512xf32, #tpu.memory_space<vmem>>, vector<16xf32>,
    %get3A_231 = arith.constant 112 : index
    %get3A_232 = tpu.vector_load %arg9[%get3A_231] {strides = array<i32>} : memref<512xf32, #tpu.memory_space<vmem>>, vector<16xf32>,
    %get3A_233 = vector.shape_cast %get3A_232 : vector<16xf32> to vector<16xf32>
    %get3A_234 = arith.constant 112 : index
    %get3A_235 = tpu.vector_load %arg8[%get3A_234] {strides = array<i32>} : memref<512xf32, #tpu.memory_space<vmem>>, vector<16xf32>,
    %get3A_236 = vector.shape_cast %get3A_235 : vector<16xf32> to vector<16xf32>
    %sub3A_237 = arith.subf %get3A_233, %get3A_236 : vector<16xf32>
    %mul3A_238 = arith.constant 0.00219722465 : f32
    %mul3A_239 = vector.broadcast %mul3A_238 : f32 to vector<16xf32>
    %mul3A_240 = arith.mulf %sub3A_237, %mul3A_239 : vector<16xf32>
    %exp3A_241 = math.exp %mul3A_240 : vector<16xf32>
    %add3A_242 = arith.constant 1.000000e+00 : f32
    %add3A_243 = vector.broadcast %add3A_242 : f32 to vector<16xf32>
    %add3A_244 = arith.addf %add3A_243, %exp3A_241 : vector<16xf32>
    %div3A_245 = arith.constant 1.000000e+00 : f32
    %div3A_246 = vector.broadcast %div3A_245 : f32 to vector<16xf32>
    %div3A_247 = arith.divf %div3A_246, %add3A_244 : vector<16xf32>
    %swap3A_248 = arith.constant 112 : index
    %swap3A_249 = tpu.vector_load %arg10[%swap3A_248] {strides = array<i32>} : memref<512xf32, #tpu.memory_space<vmem>>, vector<16xf32>,
    %swap3A_250 = vector.shape_cast %swap3A_249 : vector<16xf32> to vector<16xf32>
    %swap3A_251 = vector.shape_cast %div3A_247 : vector<16xf32> to vector<16xf32>
    tpu.vector_store %arg10[%swap3A_248], %swap3A_251 {strides = array<i32>} : memref<512xf32, #tpu.memory_space<vmem>>, vector<16xf32>,
    %get3A_252 = arith.constant 128 : index
    %get3A_253 = tpu.vector_load %arg9[%get3A_252] {strides = array<i32>} : memref<512xf32, #tpu.memory_space<vmem>>, vector<16xf32>,
    %get3A_254 = vector.shape_cast %get3A_253 : vector<16xf32> to vector<16xf32>
    %get3A_255 = arith.constant 128 : index
    %get3A_256 = tpu.vector_load %arg8[%get3A_255] {strides = array<i32>} : memref<512xf32, #tpu.memory_space<vmem>>, vector<16xf32>,
    %get3A_257 = vector.shape_cast %get3A_256 : vector<16xf32> to vector<16xf32>
    %sub3A_258 = arith.subf %get3A_254, %get3A_257 : vector<16xf32>
    %mul3A_259 = arith.constant 0.00219722465 : f32
    %mul3A_260 = vector.broadcast %mul3A_259 : f32 to vector<16xf32>
    %mul3A_261 = arith.mulf %sub3A_258, %mul3A_260 : vector<16xf32>
    %exp3A_262 = math.exp %mul3A_261 : vector<16xf32>
    %add3A_263 = arith.constant 1.000000e+00 : f32
    %add3A_264 = vector.broadcast %add3A_263 : f32 to vector<16xf32>
    %add3A_265 = arith.addf %add3A_264, %exp3A_262 : vector<16xf32>
    %div3A_266 = arith.constant 1.000000e+00 : f32
    %div3A_267 = vector.broadcast %div3A_266 : f32 to vector<16xf32>
    %div3A_268 = arith.divf %div3A_267, %add3A_265 : vector<16xf32>
    %swap3A_269 = arith.constant 128 : index
    %swap3A_270 = tpu.vector_load %arg10[%swap3A_269] {strides = array<i32>} : memref<512xf32, #tpu.memory_space<vmem>>, vector<16xf32>,
    %swap3A_271 = vector.shape_cast %swap3A_270 : vector<16xf32> to vector<16xf32>
    %swap3A_272 = vector.shape_cast %div3A_268 : vector<16xf32> to vector<16xf32>
    tpu.vector_store %arg10[%swap3A_269], %swap3A_272 {strides = array<i32>} : memref<512xf32, #tpu.memory_space<vmem>>, vector<16xf32>,
    %get3A_273 = arith.constant 144 : index
    %get3A_274 = tpu.vector_load %arg9[%get3A_273] {strides = array<i32>} : memref<512xf32, #tpu.memory_space<vmem>>, vector<16xf32>,
    %get3A_275 = vector.shape_cast %get3A_274 : vector<16xf32> to vector<16xf32>
    %get3A_276 = arith.constant 144 : index
    %get3A_277 = tpu.vector_load %arg8[%get3A_276] {strides = array<i32>} : memref<512xf32, #tpu.memory_space<vmem>>, vector<16xf32>,
    %get3A_278 = vector.shape_cast %get3A_277 : vector<16xf32> to vector<16xf32>
    %sub3A_279 = arith.subf %get3A_275, %get3A_278 : vector<16xf32>
    %mul3A_280 = arith.constant 0.00219722465 : f32
    %mul3A_281 = vector.broadcast %mul3A_280 : f32 to vector<16xf32>
    %mul3A_282 = arith.mulf %sub3A_279, %mul3A_281 : vector<16xf32>
    %exp3A_283 = math.exp %mul3A_282 : vector<16xf32>
    %add3A_284 = arith.constant 1.000000e+00 : f32
    %add3A_285 = vector.broadcast %add3A_284 : f32 to vector<16xf32>
    %add3A_286 = arith.addf %add3A_285, %exp3A_283 : vector<16xf32>
    %div3A_287 = arith.constant 1.000000e+00 : f32
    %div3A_288 = vector.broadcast %div3A_287 : f32 to vector<16xf32>
    %div3A_289 = arith.divf %div3A_288, %add3A_286 : vector<16xf32>
    %swap3A_290 = arith.constant 144 : index
    %swap3A_291 = tpu.vector_load %arg10[%swap3A_290] {strides = array<i32>} : memref<512xf32, #tpu.memory_space<vmem>>, vector<16xf32>,
    %swap3A_292 = vector.shape_cast %swap3A_291 : vector<16xf32> to vector<16xf32>
    %swap3A_293 = vector.shape_cast %div3A_289 : vector<16xf32> to vector<16xf32>
    tpu.vector_store %arg10[%swap3A_290], %swap3A_293 {strides = array<i32>} : memref<512xf32, #tpu.memory_space<vmem>>, vector<16xf32>,
    %get3A_294 = arith.constant 160 : index
    %get3A_295 = tpu.vector_load %arg9[%get3A_294] {strides = array<i32>} : memref<512xf32, #tpu.memory_space<vmem>>, vector<16xf32>,
    %get3A_296 = vector.shape_cast %get3A_295 : vector<16xf32> to vector<16xf32>
    %get3A_297 = arith.constant 160 : index
    %get3A_298 = tpu.vector_load %arg8[%get3A_297] {strides = array<i32>} : memref<512xf32, #tpu.memory_space<vmem>>, vector<16xf32>,
    %get3A_299 = vector.shape_cast %get3A_298 : vector<16xf32> to vector<16xf32>
    %sub3A_300 = arith.subf %get3A_296, %get3A_299 : vector<16xf32>
    %mul3A_301 = arith.constant 0.00219722465 : f32
    %mul3A_302 = vector.broadcast %mul3A_301 : f32 to vector<16xf32>
    %mul3A_303 = arith.mulf %sub3A_300, %mul3A_302 : vector<16xf32>
    %exp3A_304 = math.exp %mul3A_303 : vector<16xf32>
    %add3A_305 = arith.constant 1.000000e+00 : f32
    %add3A_306 = vector.broadcast %add3A_305 : f32 to vector<16xf32>
    %add3A_307 = arith.addf %add3A_306, %exp3A_304 : vector<16xf32>
    %div3A_308 = arith.constant 1.000000e+00 : f32
    %div3A_309 = vector.broadcast %div3A_308 : f32 to vector<16xf32>
    %div3A_310 = arith.divf %div3A_309, %add3A_307 : vector<16xf32>
    %swap3A_311 = arith.constant 160 : index
    %swap3A_312 = tpu.vector_load %arg10[%swap3A_311] {strides = array<i32>} : memref<512xf32, #tpu.memory_space<vmem>>, vector<16xf32>,
    %swap3A_313 = vector.shape_cast %swap3A_312 : vector<16xf32> to vector<16xf32>
    %swap3A_314 = vector.shape_cast %div3A_310 : vector<16xf32> to vector<16xf32>
    tpu.vector_store %arg10[%swap3A_311], %swap3A_314 {strides = array<i32>} : memref<512xf32, #tpu.memory_space<vmem>>, vector<16xf32>,
    %get3A_315 = arith.constant 176 : index
    %get3A_316 = tpu.vector_load %arg9[%get3A_315] {strides = array<i32>} : memref<512xf32, #tpu.memory_space<vmem>>, vector<16xf32>,
    %get3A_317 = vector.shape_cast %get3A_316 : vector<16xf32> to vector<16xf32>
    %get3A_318 = arith.constant 176 : index
    %get3A_319 = tpu.vector_load %arg8[%get3A_318] {strides = array<i32>} : memref<512xf32, #tpu.memory_space<vmem>>, vector<16xf32>,
    %get3A_320 = vector.shape_cast %get3A_319 : vector<16xf32> to vector<16xf32>
    %sub3A_321 = arith.subf %get3A_317, %get3A_320 : vector<16xf32>
    %mul3A_322 = arith.constant 0.00219722465 : f32
    %mul3A_323 = vector.broadcast %mul3A_322 : f32 to vector<16xf32>
    %mul3A_324 = arith.mulf %sub3A_321, %mul3A_323 : vector<16xf32>
    %exp3A_325 = math.exp %mul3A_324 : vector<16xf32>
    %add3A_326 = arith.constant 1.000000e+00 : f32
    %add3A_327 = vector.broadcast %add3A_326 : f32 to vector<16xf32>
    %add3A_328 = arith.addf %add3A_327, %exp3A_325 : vector<16xf32>
    %div3A_329 = arith.constant 1.000000e+00 : f32
    %div3A_330 = vector.broadcast %div3A_329 : f32 to vector<16xf32>
    %div3A_331 = arith.divf %div3A_330, %add3A_328 : vector<16xf32>
    %swap3A_332 = arith.constant 176 : index
    %swap3A_333 = tpu.vector_load %arg10[%swap3A_332] {strides = array<i32>} : memref<512xf32, #tpu.memory_space<vmem>>, vector<16xf32>,
    %swap3A_334 = vector.shape_cast %swap3A_333 : vector<16xf32> to vector<16xf32>
    %swap3A_335 = vector.shape_cast %div3A_331 : vector<16xf32> to vector<16xf32>
    tpu.vector_store %arg10[%swap3A_332], %swap3A_335 {strides = array<i32>} : memref<512xf32, #tpu.memory_space<vmem>>, vector<16xf32>,
    %get3A_336 = arith.constant 192 : index
    %get3A_337 = tpu.vector_load %arg9[%get3A_336] {strides = array<i32>} : memref<512xf32, #tpu.memory_space<vmem>>, vector<16xf32>,
    %get3A_338 = vector.shape_cast %get3A_337 : vector<16xf32> to vector<16xf32>
    %get3A_339 = arith.constant 192 : index
    %get3A_340 = tpu.vector_load %arg8[%get3A_339] {strides = array<i32>} : memref<512xf32, #tpu.memory_space<vmem>>, vector<16xf32>,
    %get3A_341 = vector.shape_cast %get3A_340 : vector<16xf32> to vector<16xf32>
    %sub3A_342 = arith.subf %get3A_338, %get3A_341 : vector<16xf32>
    %mul3A_343 = arith.constant 0.00219722465 : f32
    %mul3A_344 = vector.broadcast %mul3A_343 : f32 to vector<16xf32>
    %mul3A_345 = arith.mulf %sub3A_342, %mul3A_344 : vector<16xf32>
    %exp3A_346 = math.exp %mul3A_345 : vector<16xf32>
    %add3A_347 = arith.constant 1.000000e+00 : f32
    %add3A_348 = vector.broadcast %add3A_347 : f32 to vector<16xf32>
    %add3A_349 = arith.addf %add3A_348, %exp3A_346 : vector<16xf32>
    %div3A_350 = arith.constant 1.000000e+00 : f32
    %div3A_351 = vector.broadcast %div3A_350 : f32 to vector<16xf32>
    %div3A_352 = arith.divf %div3A_351, %add3A_349 : vector<16xf32>
    %swap3A_353 = arith.constant 192 : index
    %swap3A_354 = tpu.vector_load %arg10[%swap3A_353] {strides = array<i32>} : memref<512xf32, #tpu.memory_space<vmem>>, vector<16xf32>,
    %swap3A_355 = vector.shape_cast %swap3A_354 : vector<16xf32> to vector<16xf32>
    %swap3A_356 = vector.shape_cast %div3A_352 : vector<16xf32> to vector<16xf32>
    tpu.vector_store %arg10[%swap3A_353], %swap3A_356 {strides = array<i32>} : memref<512xf32, #tpu.memory_space<vmem>>, vector<16xf32>,
    %get3A_357 = arith.constant 208 : index
    %get3A_358 = tpu.vector_load %arg9[%get3A_357] {strides = array<i32>} : memref<512xf32, #tpu.memory_space<vmem>>, vector<16xf32>,
    %get3A_359 = vector.shape_cast %get3A_358 : vector<16xf32> to vector<16xf32>
    %get3A_360 = arith.constant 208 : index
    %get3A_361 = tpu.vector_load %arg8[%get3A_360] {strides = array<i32>} : memref<512xf32, #tpu.memory_space<vmem>>, vector<16xf32>,
    %get3A_362 = vector.shape_cast %get3A_361 : vector<16xf32> to vector<16xf32>
    %sub3A_363 = arith.subf %get3A_359, %get3A_362 : vector<16xf32>
    %mul3A_364 = arith.constant 0.00219722465 : f32
    %mul3A_365 = vector.broadcast %mul3A_364 : f32 to vector<16xf32>
    %mul3A_366 = arith.mulf %sub3A_363, %mul3A_365 : vector<16xf32>
    %exp3A_367 = math.exp %mul3A_366 : vector<16xf32>
    %add3A_368 = arith.constant 1.000000e+00 : f32
    %add3A_369 = vector.broadcast %add3A_368 : f32 to vector<16xf32>
    %add3A_370 = arith.addf %add3A_369, %exp3A_367 : vector<16xf32>
    %div3A_371 = arith.constant 1.000000e+00 : f32
    %div3A_372 = vector.broadcast %div3A_371 : f32 to vector<16xf32>
    %div3A_373 = arith.divf %div3A_372, %add3A_370 : vector<16xf32>
    %swap3A_374 = arith.constant 208 : index
    %swap3A_375 = tpu.vector_load %arg10[%swap3A_374] {strides = array<i32>} : memref<512xf32, #tpu.memory_space<vmem>>, vector<16xf32>,
    %swap3A_376 = vector.shape_cast %swap3A_375 : vector<16xf32> to vector<16xf32>
    %swap3A_377 = vector.shape_cast %div3A_373 : vector<16xf32> to vector<16xf32>
    tpu.vector_store %arg10[%swap3A_374], %swap3A_377 {strides = array<i32>} : memref<512xf32, #tpu.memory_space<vmem>>, vector<16xf32>,
    %get3A_378 = arith.constant 224 : index
    %get3A_379 = tpu.vector_load %arg9[%get3A_378] {strides = array<i32>} : memref<512xf32, #tpu.memory_space<vmem>>, vector<16xf32>,
    %get3A_380 = vector.shape_cast %get3A_379 : vector<16xf32> to vector<16xf32>
    %get3A_381 = arith.constant 224 : index
    %get3A_382 = tpu.vector_load %arg8[%get3A_381] {strides = array<i32>} : memref<512xf32, #tpu.memory_space<vmem>>, vector<16xf32>,
    %get3A_383 = vector.shape_cast %get3A_382 : vector<16xf32> to vector<16xf32>
    %sub3A_384 = arith.subf %get3A_380, %get3A_383 : vector<16xf32>
    %mul3A_385 = arith.constant 0.00219722465 : f32
    %mul3A_386 = vector.broadcast %mul3A_385 : f32 to vector<16xf32>
    %mul3A_387 = arith.mulf %sub3A_384, %mul3A_386 : vector<16xf32>
    %exp3A_388 = math.exp %mul3A_387 : vector<16xf32>
    %add3A_389 = arith.constant 1.000000e+00 : f32
    %add3A_390 = vector.broadcast %add3A_389 : f32 to vector<16xf32>
    %add3A_391 = arith.addf %add3A_390, %exp3A_388 : vector<16xf32>
    %div3A_392 = arith.constant 1.000000e+00 : f32
    %div3A_393 = vector.broadcast %div3A_392 : f32 to vector<16xf32>
    %div3A_394 = arith.divf %div3A_393, %add3A_391 : vector<16xf32>
    %swap3A_395 = arith.constant 224 : index
    %swap3A_396 = tpu.vector_load %arg10[%swap3A_395] {strides = array<i32>} : memref<512xf32, #tpu.memory_space<vmem>>, vector<16xf32>,
    %swap3A_397 = vector.shape_cast %swap3A_396 : vector<16xf32> to vector<16xf32>
    %swap3A_398 = vector.shape_cast %div3A_394 : vector<16xf32> to vector<16xf32>
    tpu.vector_store %arg10[%swap3A_395], %swap3A_398 {strides = array<i32>} : memref<512xf32, #tpu.memory_space<vmem>>, vector<16xf32>,
    %get3A_399 = arith.constant 240 : index
    %get3A_400 = tpu.vector_load %arg9[%get3A_399] {strides = array<i32>} : memref<512xf32, #tpu.memory_space<vmem>>, vector<16xf32>,
    %get3A_401 = vector.shape_cast %get3A_400 : vector<16xf32> to vector<16xf32>
    %get3A_402 = arith.constant 240 : index
    %get3A_403 = tpu.vector_load %arg8[%get3A_402] {strides = array<i32>} : memref<512xf32, #tpu.memory_space<vmem>>, vector<16xf32>,
    %get3A_404 = vector.shape_cast %get3A_403 : vector<16xf32> to vector<16xf32>
    %sub3A_405 = arith.subf %get3A_401, %get3A_404 : vector<16xf32>
    %mul3A_406 = arith.constant 0.00219722465 : f32
    %mul3A_407 = vector.broadcast %mul3A_406 : f32 to vector<16xf32>
    %mul3A_408 = arith.mulf %sub3A_405, %mul3A_407 : vector<16xf32>
    %exp3A_409 = math.exp %mul3A_408 : vector<16xf32>
    %add3A_410 = arith.constant 1.000000e+00 : f32
    %add3A_411 = vector.broadcast %add3A_410 : f32 to vector<16xf32>
    %add3A_412 = arith.addf %add3A_411, %exp3A_409 : vector<16xf32>
    %div3A_413 = arith.constant 1.000000e+00 : f32
    %div3A_414 = vector.broadcast %div3A_413 : f32 to vector<16xf32>
    %div3A_415 = arith.divf %div3A_414, %add3A_412 : vector<16xf32>
    %swap3A_416 = arith.constant 240 : index
    %swap3A_417 = tpu.vector_load %arg10[%swap3A_416] {strides = array<i32>} : memref<512xf32, #tpu.memory_space<vmem>>, vector<16xf32>,
    %swap3A_418 = vector.shape_cast %swap3A_417 : vector<16xf32> to vector<16xf32>
    %swap3A_419 = vector.shape_cast %div3A_415 : vector<16xf32> to vector<16xf32>
    tpu.vector_store %arg10[%swap3A_416], %swap3A_419 {strides = array<i32>} : memref<512xf32, #tpu.memory_space<vmem>>, vector<16xf32>,
    %add3A_420 = arith.constant 0 : i32
    %add3A_421 = arith.addi %mul3A_2, %add3A_420 : i32
    %dma_start3A_422 = arith.constant 0 : i32
    %dma_start3A_423 = tpu.memref_slice %arg10[%dma_start3A_422] : memref<512xf32, #tpu.memory_space<vmem>> -> memref<256xf32, #tpu.memory_space<vmem>>
    %dma_start3A_424 = tpu.memref_slice %arg5[%add3A_421] : memref<16384xf32, #tpu.memory_space<hbm>> -> memref<256xf32, #tpu.memory_space<hbm>>
    %dma_start3A_425 = tpu.memref_slice %arg5[%add3A_421] : memref<16384xf32, #tpu.memory_space<hbm>> -> memref<256xf32, #tpu.memory_space<hbm>>
    %dma_start3A_426 = arith.constant 0 : i32
    %dma_start3A_427 = tpu.memref_slice %arg10[%dma_start3A_426] : memref<512xf32, #tpu.memory_space<vmem>> -> memref<256xf32, #tpu.memory_space<vmem>>
    tpu.enqueue_dma source(%dma_start3A_427 : memref<256xf32, #tpu.memory_space<vmem>>) target(%dma_start3A_425 : memref<256xf32, #tpu.memory_space<hbm>>) target_semaphore(%arg15 : memref<!tpu.dma_semaphore, #tpu.memory_space<semaphore_mem>>)
    %dma_wait3A_428 = arith.constant 256 : i32
    %dma_wait3A_429 = tpu.memref_slice %arg8[%dma_wait3A_428] : memref<512xf32, #tpu.memory_space<vmem>> -> memref<256xf32, #tpu.memory_space<vmem>>
    %dma_wait3A_430 = arith.constant 256 : i32
    %dma_wait3A_431 = tpu.memref_slice %arg6[%dma_wait3A_430] : memref<512xi32, #tpu.memory_space<vmem>> -> memref<256xi32, #tpu.memory_space<vmem>>
    %dma_wait3A_432 = arith.constant 0 : i32
    %dma_wait3A_433 = tpu.memref_slice %arg4[%dma_wait3A_432] : memref<1000000xf32, #tpu.memory_space<hbm>> -> memref<1000000xf32, #tpu.memory_space<hbm>>
    tpu.wait_indirect_dma semaphore(%arg14 : memref<!tpu.dma_semaphore, #tpu.memory_space<semaphore_mem>>) src(%dma_wait3A_433 : memref<1000000xf32, #tpu.memory_space<hbm>>) dst(%dma_wait3A_429 : memref<256xf32, #tpu.memory_space<vmem>>)
    %dma_wait3A_434 = arith.constant 256 : i32
    %dma_wait3A_435 = tpu.memref_slice %arg9[%dma_wait3A_434] : memref<512xf32, #tpu.memory_space<vmem>> -> memref<256xf32, #tpu.memory_space<vmem>>
    %dma_wait3A_436 = arith.constant 256 : i32
    %dma_wait3A_437 = tpu.memref_slice %arg7[%dma_wait3A_436] : memref<512xi32, #tpu.memory_space<vmem>> -> memref<256xi32, #tpu.memory_space<vmem>>
    %dma_wait3A_438 = arith.constant 0 : i32
    %dma_wait3A_439 = tpu.memref_slice %arg4[%dma_wait3A_438] : memref<1000000xf32, #tpu.memory_space<hbm>> -> memref<1000000xf32, #tpu.memory_space<hbm>>
    tpu.wait_indirect_dma semaphore(%arg14 : memref<!tpu.dma_semaphore, #tpu.memory_space<semaphore_mem>>) src(%dma_wait3A_439 : memref<1000000xf32, #tpu.memory_space<hbm>>) dst(%dma_wait3A_435 : memref<256xf32, #tpu.memory_space<vmem>>)
    %get3A_440 = arith.constant 256 : index
    %get3A_441 = tpu.vector_load %arg9[%get3A_440] {strides = array<i32>} : memref<512xf32, #tpu.memory_space<vmem>>, vector<16xf32>,
    %get3A_442 = vector.shape_cast %get3A_441 : vector<16xf32> to vector<16xf32>
    %get3A_443 = arith.constant 256 : index
    %get3A_444 = tpu.vector_load %arg8[%get3A_443] {strides = array<i32>} : memref<512xf32, #tpu.memory_space<vmem>>, vector<16xf32>,
    %get3A_445 = vector.shape_cast %get3A_444 : vector<16xf32> to vector<16xf32>
    %sub3A_446 = arith.subf %get3A_442, %get3A_445 : vector<16xf32>
    %mul3A_447 = arith.constant 0.00219722465 : f32
    %mul3A_448 = vector.broadcast %mul3A_447 : f32 to vector<16xf32>
    %mul3A_449 = arith.mulf %sub3A_446, %mul3A_448 : vector<16xf32>
    %exp3A_450 = math.exp %mul3A_449 : vector<16xf32>
    %add3A_451 = arith.constant 1.000000e+00 : f32
    %add3A_452 = vector.broadcast %add3A_451 : f32 to vector<16xf32>
    %add3A_453 = arith.addf %add3A_452, %exp3A_450 : vector<16xf32>
    %div3A_454 = arith.constant 1.000000e+00 : f32
    %div3A_455 = vector.broadcast %div3A_454 : f32 to vector<16xf32>
    %div3A_456 = arith.divf %div3A_455, %add3A_453 : vector<16xf32>
    %swap3A_457 = arith.constant 256 : index
    %swap3A_458 = tpu.vector_load %arg10[%swap3A_457] {strides = array<i32>} : memref<512xf32, #tpu.memory_space<vmem>>, vector<16xf32>,
    %swap3A_459 = vector.shape_cast %swap3A_458 : vector<16xf32> to vector<16xf32>
    %swap3A_460 = vector.shape_cast %div3A_456 : vector<16xf32> to vector<16xf32>
    tpu.vector_store %arg10[%swap3A_457], %swap3A_460 {strides = array<i32>} : memref<512xf32, #tpu.memory_space<vmem>>, vector<16xf32>,
    %get3A_461 = arith.constant 272 : index
    %get3A_462 = tpu.vector_load %arg9[%get3A_461] {strides = array<i32>} : memref<512xf32, #tpu.memory_space<vmem>>, vector<16xf32>,
    %get3A_463 = vector.shape_cast %get3A_462 : vector<16xf32> to vector<16xf32>
    %get3A_464 = arith.constant 272 : index
    %get3A_465 = tpu.vector_load %arg8[%get3A_464] {strides = array<i32>} : memref<512xf32, #tpu.memory_space<vmem>>, vector<16xf32>,
    %get3A_466 = vector.shape_cast %get3A_465 : vector<16xf32> to vector<16xf32>
    %sub3A_467 = arith.subf %get3A_463, %get3A_466 : vector<16xf32>
    %mul3A_468 = arith.constant 0.00219722465 : f32
    %mul3A_469 = vector.broadcast %mul3A_468 : f32 to vector<16xf32>
    %mul3A_470 = arith.mulf %sub3A_467, %mul3A_469 : vector<16xf32>
    %exp3A_471 = math.exp %mul3A_470 : vector<16xf32>
    %add3A_472 = arith.constant 1.000000e+00 : f32
    %add3A_473 = vector.broadcast %add3A_472 : f32 to vector<16xf32>
    %add3A_474 = arith.addf %add3A_473, %exp3A_471 : vector<16xf32>
    %div3A_475 = arith.constant 1.000000e+00 : f32
    %div3A_476 = vector.broadcast %div3A_475 : f32 to vector<16xf32>
    %div3A_477 = arith.divf %div3A_476, %add3A_474 : vector<16xf32>
    %swap3A_478 = arith.constant 272 : index
    %swap3A_479 = tpu.vector_load %arg10[%swap3A_478] {strides = array<i32>} : memref<512xf32, #tpu.memory_space<vmem>>, vector<16xf32>,
    %swap3A_480 = vector.shape_cast %swap3A_479 : vector<16xf32> to vector<16xf32>
    %swap3A_481 = vector.shape_cast %div3A_477 : vector<16xf32> to vector<16xf32>
    tpu.vector_store %arg10[%swap3A_478], %swap3A_481 {strides = array<i32>} : memref<512xf32, #tpu.memory_space<vmem>>, vector<16xf32>,
    %get3A_482 = arith.constant 288 : index
    %get3A_483 = tpu.vector_load %arg9[%get3A_482] {strides = array<i32>} : memref<512xf32, #tpu.memory_space<vmem>>, vector<16xf32>,
    %get3A_484 = vector.shape_cast %get3A_483 : vector<16xf32> to vector<16xf32>
    %get3A_485 = arith.constant 288 : index
    %get3A_486 = tpu.vector_load %arg8[%get3A_485] {strides = array<i32>} : memref<512xf32, #tpu.memory_space<vmem>>, vector<16xf32>,
    %get3A_487 = vector.shape_cast %get3A_486 : vector<16xf32> to vector<16xf32>
    %sub3A_488 = arith.subf %get3A_484, %get3A_487 : vector<16xf32>
    %mul3A_489 = arith.constant 0.00219722465 : f32
    %mul3A_490 = vector.broadcast %mul3A_489 : f32 to vector<16xf32>
    %mul3A_491 = arith.mulf %sub3A_488, %mul3A_490 : vector<16xf32>
    %exp3A_492 = math.exp %mul3A_491 : vector<16xf32>
    %add3A_493 = arith.constant 1.000000e+00 : f32
    %add3A_494 = vector.broadcast %add3A_493 : f32 to vector<16xf32>
    %add3A_495 = arith.addf %add3A_494, %exp3A_492 : vector<16xf32>
    %div3A_496 = arith.constant 1.000000e+00 : f32
    %div3A_497 = vector.broadcast %div3A_496 : f32 to vector<16xf32>
    %div3A_498 = arith.divf %div3A_497, %add3A_495 : vector<16xf32>
    %swap3A_499 = arith.constant 288 : index
    %swap3A_500 = tpu.vector_load %arg10[%swap3A_499] {strides = array<i32>} : memref<512xf32, #tpu.memory_space<vmem>>, vector<16xf32>,
    %swap3A_501 = vector.shape_cast %swap3A_500 : vector<16xf32> to vector<16xf32>
    %swap3A_502 = vector.shape_cast %div3A_498 : vector<16xf32> to vector<16xf32>
    tpu.vector_store %arg10[%swap3A_499], %swap3A_502 {strides = array<i32>} : memref<512xf32, #tpu.memory_space<vmem>>, vector<16xf32>,
    %get3A_503 = arith.constant 304 : index
    %get3A_504 = tpu.vector_load %arg9[%get3A_503] {strides = array<i32>} : memref<512xf32, #tpu.memory_space<vmem>>, vector<16xf32>,
    %get3A_505 = vector.shape_cast %get3A_504 : vector<16xf32> to vector<16xf32>
    %get3A_506 = arith.constant 304 : index
    %get3A_507 = tpu.vector_load %arg8[%get3A_506] {strides = array<i32>} : memref<512xf32, #tpu.memory_space<vmem>>, vector<16xf32>,
    %get3A_508 = vector.shape_cast %get3A_507 : vector<16xf32> to vector<16xf32>
    %sub3A_509 = arith.subf %get3A_505, %get3A_508 : vector<16xf32>
    %mul3A_510 = arith.constant 0.00219722465 : f32
    %mul3A_511 = vector.broadcast %mul3A_510 : f32 to vector<16xf32>
    %mul3A_512 = arith.mulf %sub3A_509, %mul3A_511 : vector<16xf32>
    %exp3A_513 = math.exp %mul3A_512 : vector<16xf32>
    %add3A_514 = arith.constant 1.000000e+00 : f32
    %add3A_515 = vector.broadcast %add3A_514 : f32 to vector<16xf32>
    %add3A_516 = arith.addf %add3A_515, %exp3A_513 : vector<16xf32>
    %div3A_517 = arith.constant 1.000000e+00 : f32
    %div3A_518 = vector.broadcast %div3A_517 : f32 to vector<16xf32>
    %div3A_519 = arith.divf %div3A_518, %add3A_516 : vector<16xf32>
    %swap3A_520 = arith.constant 304 : index
    %swap3A_521 = tpu.vector_load %arg10[%swap3A_520] {strides = array<i32>} : memref<512xf32, #tpu.memory_space<vmem>>, vector<16xf32>,
    %swap3A_522 = vector.shape_cast %swap3A_521 : vector<16xf32> to vector<16xf32>
    %swap3A_523 = vector.shape_cast %div3A_519 : vector<16xf32> to vector<16xf32>
    tpu.vector_store %arg10[%swap3A_520], %swap3A_523 {strides = array<i32>} : memref<512xf32, #tpu.memory_space<vmem>>, vector<16xf32>,
    %get3A_524 = arith.constant 320 : index
    %get3A_525 = tpu.vector_load %arg9[%get3A_524] {strides = array<i32>} : memref<512xf32, #tpu.memory_space<vmem>>, vector<16xf32>,
    %get3A_526 = vector.shape_cast %get3A_525 : vector<16xf32> to vector<16xf32>
    %get3A_527 = arith.constant 320 : index
    %get3A_528 = tpu.vector_load %arg8[%get3A_527] {strides = array<i32>} : memref<512xf32, #tpu.memory_space<vmem>>, vector<16xf32>,
    %get3A_529 = vector.shape_cast %get3A_528 : vector<16xf32> to vector<16xf32>
    %sub3A_530 = arith.subf %get3A_526, %get3A_529 : vector<16xf32>
    %mul3A_531 = arith.constant 0.00219722465 : f32
    %mul3A_532 = vector.broadcast %mul3A_531 : f32 to vector<16xf32>
    %mul3A_533 = arith.mulf %sub3A_530, %mul3A_532 : vector<16xf32>
    %exp3A_534 = math.exp %mul3A_533 : vector<16xf32>
    %add3A_535 = arith.constant 1.000000e+00 : f32
    %add3A_536 = vector.broadcast %add3A_535 : f32 to vector<16xf32>
    %add3A_537 = arith.addf %add3A_536, %exp3A_534 : vector<16xf32>
    %div3A_538 = arith.constant 1.000000e+00 : f32
    %div3A_539 = vector.broadcast %div3A_538 : f32 to vector<16xf32>
    %div3A_540 = arith.divf %div3A_539, %add3A_537 : vector<16xf32>
    %swap3A_541 = arith.constant 320 : index
    %swap3A_542 = tpu.vector_load %arg10[%swap3A_541] {strides = array<i32>} : memref<512xf32, #tpu.memory_space<vmem>>, vector<16xf32>,
    %swap3A_543 = vector.shape_cast %swap3A_542 : vector<16xf32> to vector<16xf32>
    %swap3A_544 = vector.shape_cast %div3A_540 : vector<16xf32> to vector<16xf32>
    tpu.vector_store %arg10[%swap3A_541], %swap3A_544 {strides = array<i32>} : memref<512xf32, #tpu.memory_space<vmem>>, vector<16xf32>,
    %get3A_545 = arith.constant 336 : index
    %get3A_546 = tpu.vector_load %arg9[%get3A_545] {strides = array<i32>} : memref<512xf32, #tpu.memory_space<vmem>>, vector<16xf32>,
    %get3A_547 = vector.shape_cast %get3A_546 : vector<16xf32> to vector<16xf32>
    %get3A_548 = arith.constant 336 : index
    %get3A_549 = tpu.vector_load %arg8[%get3A_548] {strides = array<i32>} : memref<512xf32, #tpu.memory_space<vmem>>, vector<16xf32>,
    %get3A_550 = vector.shape_cast %get3A_549 : vector<16xf32> to vector<16xf32>
    %sub3A_551 = arith.subf %get3A_547, %get3A_550 : vector<16xf32>
    %mul3A_552 = arith.constant 0.00219722465 : f32
    %mul3A_553 = vector.broadcast %mul3A_552 : f32 to vector<16xf32>
    %mul3A_554 = arith.mulf %sub3A_551, %mul3A_553 : vector<16xf32>
    %exp3A_555 = math.exp %mul3A_554 : vector<16xf32>
    %add3A_556 = arith.constant 1.000000e+00 : f32
    %add3A_557 = vector.broadcast %add3A_556 : f32 to vector<16xf32>
    %add3A_558 = arith.addf %add3A_557, %exp3A_555 : vector<16xf32>
    %div3A_559 = arith.constant 1.000000e+00 : f32
    %div3A_560 = vector.broadcast %div3A_559 : f32 to vector<16xf32>
    %div3A_561 = arith.divf %div3A_560, %add3A_558 : vector<16xf32>
    %swap3A_562 = arith.constant 336 : index
    %swap3A_563 = tpu.vector_load %arg10[%swap3A_562] {strides = array<i32>} : memref<512xf32, #tpu.memory_space<vmem>>, vector<16xf32>,
    %swap3A_564 = vector.shape_cast %swap3A_563 : vector<16xf32> to vector<16xf32>
    %swap3A_565 = vector.shape_cast %div3A_561 : vector<16xf32> to vector<16xf32>
    tpu.vector_store %arg10[%swap3A_562], %swap3A_565 {strides = array<i32>} : memref<512xf32, #tpu.memory_space<vmem>>, vector<16xf32>,
    %get3A_566 = arith.constant 352 : index
    %get3A_567 = tpu.vector_load %arg9[%get3A_566] {strides = array<i32>} : memref<512xf32, #tpu.memory_space<vmem>>, vector<16xf32>,
    %get3A_568 = vector.shape_cast %get3A_567 : vector<16xf32> to vector<16xf32>
    %get3A_569 = arith.constant 352 : index
    %get3A_570 = tpu.vector_load %arg8[%get3A_569] {strides = array<i32>} : memref<512xf32, #tpu.memory_space<vmem>>, vector<16xf32>,
    %get3A_571 = vector.shape_cast %get3A_570 : vector<16xf32> to vector<16xf32>
    %sub3A_572 = arith.subf %get3A_568, %get3A_571 : vector<16xf32>
    %mul3A_573 = arith.constant 0.00219722465 : f32
    %mul3A_574 = vector.broadcast %mul3A_573 : f32 to vector<16xf32>
    %mul3A_575 = arith.mulf %sub3A_572, %mul3A_574 : vector<16xf32>
    %exp3A_576 = math.exp %mul3A_575 : vector<16xf32>
    %add3A_577 = arith.constant 1.000000e+00 : f32
    %add3A_578 = vector.broadcast %add3A_577 : f32 to vector<16xf32>
    %add3A_579 = arith.addf %add3A_578, %exp3A_576 : vector<16xf32>
    %div3A_580 = arith.constant 1.000000e+00 : f32
    %div3A_581 = vector.broadcast %div3A_580 : f32 to vector<16xf32>
    %div3A_582 = arith.divf %div3A_581, %add3A_579 : vector<16xf32>
    %swap3A_583 = arith.constant 352 : index
    %swap3A_584 = tpu.vector_load %arg10[%swap3A_583] {strides = array<i32>} : memref<512xf32, #tpu.memory_space<vmem>>, vector<16xf32>,
    %swap3A_585 = vector.shape_cast %swap3A_584 : vector<16xf32> to vector<16xf32>
    %swap3A_586 = vector.shape_cast %div3A_582 : vector<16xf32> to vector<16xf32>
    tpu.vector_store %arg10[%swap3A_583], %swap3A_586 {strides = array<i32>} : memref<512xf32, #tpu.memory_space<vmem>>, vector<16xf32>,
    %get3A_587 = arith.constant 368 : index
    %get3A_588 = tpu.vector_load %arg9[%get3A_587] {strides = array<i32>} : memref<512xf32, #tpu.memory_space<vmem>>, vector<16xf32>,
    %get3A_589 = vector.shape_cast %get3A_588 : vector<16xf32> to vector<16xf32>
    %get3A_590 = arith.constant 368 : index
    %get3A_591 = tpu.vector_load %arg8[%get3A_590] {strides = array<i32>} : memref<512xf32, #tpu.memory_space<vmem>>, vector<16xf32>,
    %get3A_592 = vector.shape_cast %get3A_591 : vector<16xf32> to vector<16xf32>
    %sub3A_593 = arith.subf %get3A_589, %get3A_592 : vector<16xf32>
    %mul3A_594 = arith.constant 0.00219722465 : f32
    %mul3A_595 = vector.broadcast %mul3A_594 : f32 to vector<16xf32>
    %mul3A_596 = arith.mulf %sub3A_593, %mul3A_595 : vector<16xf32>
    %exp3A_597 = math.exp %mul3A_596 : vector<16xf32>
    %add3A_598 = arith.constant 1.000000e+00 : f32
    %add3A_599 = vector.broadcast %add3A_598 : f32 to vector<16xf32>
    %add3A_600 = arith.addf %add3A_599, %exp3A_597 : vector<16xf32>
    %div3A_601 = arith.constant 1.000000e+00 : f32
    %div3A_602 = vector.broadcast %div3A_601 : f32 to vector<16xf32>
    %div3A_603 = arith.divf %div3A_602, %add3A_600 : vector<16xf32>
    %swap3A_604 = arith.constant 368 : index
    %swap3A_605 = tpu.vector_load %arg10[%swap3A_604] {strides = array<i32>} : memref<512xf32, #tpu.memory_space<vmem>>, vector<16xf32>,
    %swap3A_606 = vector.shape_cast %swap3A_605 : vector<16xf32> to vector<16xf32>
    %swap3A_607 = vector.shape_cast %div3A_603 : vector<16xf32> to vector<16xf32>
    tpu.vector_store %arg10[%swap3A_604], %swap3A_607 {strides = array<i32>} : memref<512xf32, #tpu.memory_space<vmem>>, vector<16xf32>,
    %get3A_608 = arith.constant 384 : index
    %get3A_609 = tpu.vector_load %arg9[%get3A_608] {strides = array<i32>} : memref<512xf32, #tpu.memory_space<vmem>>, vector<16xf32>,
    %get3A_610 = vector.shape_cast %get3A_609 : vector<16xf32> to vector<16xf32>
    %get3A_611 = arith.constant 384 : index
    %get3A_612 = tpu.vector_load %arg8[%get3A_611] {strides = array<i32>} : memref<512xf32, #tpu.memory_space<vmem>>, vector<16xf32>,
    %get3A_613 = vector.shape_cast %get3A_612 : vector<16xf32> to vector<16xf32>
    %sub3A_614 = arith.subf %get3A_610, %get3A_613 : vector<16xf32>
    %mul3A_615 = arith.constant 0.00219722465 : f32
    %mul3A_616 = vector.broadcast %mul3A_615 : f32 to vector<16xf32>
    %mul3A_617 = arith.mulf %sub3A_614, %mul3A_616 : vector<16xf32>
    %exp3A_618 = math.exp %mul3A_617 : vector<16xf32>
    %add3A_619 = arith.constant 1.000000e+00 : f32
    %add3A_620 = vector.broadcast %add3A_619 : f32 to vector<16xf32>
    %add3A_621 = arith.addf %add3A_620, %exp3A_618 : vector<16xf32>
    %div3A_622 = arith.constant 1.000000e+00 : f32
    %div3A_623 = vector.broadcast %div3A_622 : f32 to vector<16xf32>
    %div3A_624 = arith.divf %div3A_623, %add3A_621 : vector<16xf32>
    %swap3A_625 = arith.constant 384 : index
    %swap3A_626 = tpu.vector_load %arg10[%swap3A_625] {strides = array<i32>} : memref<512xf32, #tpu.memory_space<vmem>>, vector<16xf32>,
    %swap3A_627 = vector.shape_cast %swap3A_626 : vector<16xf32> to vector<16xf32>
    %swap3A_628 = vector.shape_cast %div3A_624 : vector<16xf32> to vector<16xf32>
    tpu.vector_store %arg10[%swap3A_625], %swap3A_628 {strides = array<i32>} : memref<512xf32, #tpu.memory_space<vmem>>, vector<16xf32>,
    %get3A_629 = arith.constant 400 : index
    %get3A_630 = tpu.vector_load %arg9[%get3A_629] {strides = array<i32>} : memref<512xf32, #tpu.memory_space<vmem>>, vector<16xf32>,
    %get3A_631 = vector.shape_cast %get3A_630 : vector<16xf32> to vector<16xf32>
    %get3A_632 = arith.constant 400 : index
    %get3A_633 = tpu.vector_load %arg8[%get3A_632] {strides = array<i32>} : memref<512xf32, #tpu.memory_space<vmem>>, vector<16xf32>,
    %get3A_634 = vector.shape_cast %get3A_633 : vector<16xf32> to vector<16xf32>
    %sub3A_635 = arith.subf %get3A_631, %get3A_634 : vector<16xf32>
    %mul3A_636 = arith.constant 0.00219722465 : f32
    %mul3A_637 = vector.broadcast %mul3A_636 : f32 to vector<16xf32>
    %mul3A_638 = arith.mulf %sub3A_635, %mul3A_637 : vector<16xf32>
    %exp3A_639 = math.exp %mul3A_638 : vector<16xf32>
    %add3A_640 = arith.constant 1.000000e+00 : f32
    %add3A_641 = vector.broadcast %add3A_640 : f32 to vector<16xf32>
    %add3A_642 = arith.addf %add3A_641, %exp3A_639 : vector<16xf32>
    %div3A_643 = arith.constant 1.000000e+00 : f32
    %div3A_644 = vector.broadcast %div3A_643 : f32 to vector<16xf32>
    %div3A_645 = arith.divf %div3A_644, %add3A_642 : vector<16xf32>
    %swap3A_646 = arith.constant 400 : index
    %swap3A_647 = tpu.vector_load %arg10[%swap3A_646] {strides = array<i32>} : memref<512xf32, #tpu.memory_space<vmem>>, vector<16xf32>,
    %swap3A_648 = vector.shape_cast %swap3A_647 : vector<16xf32> to vector<16xf32>
    %swap3A_649 = vector.shape_cast %div3A_645 : vector<16xf32> to vector<16xf32>
    tpu.vector_store %arg10[%swap3A_646], %swap3A_649 {strides = array<i32>} : memref<512xf32, #tpu.memory_space<vmem>>, vector<16xf32>,
    %get3A_650 = arith.constant 416 : index
    %get3A_651 = tpu.vector_load %arg9[%get3A_650] {strides = array<i32>} : memref<512xf32, #tpu.memory_space<vmem>>, vector<16xf32>,
    %get3A_652 = vector.shape_cast %get3A_651 : vector<16xf32> to vector<16xf32>
    %get3A_653 = arith.constant 416 : index
    %get3A_654 = tpu.vector_load %arg8[%get3A_653] {strides = array<i32>} : memref<512xf32, #tpu.memory_space<vmem>>, vector<16xf32>,
    %get3A_655 = vector.shape_cast %get3A_654 : vector<16xf32> to vector<16xf32>
    %sub3A_656 = arith.subf %get3A_652, %get3A_655 : vector<16xf32>
    %mul3A_657 = arith.constant 0.00219722465 : f32
    %mul3A_658 = vector.broadcast %mul3A_657 : f32 to vector<16xf32>
    %mul3A_659 = arith.mulf %sub3A_656, %mul3A_658 : vector<16xf32>
    %exp3A_660 = math.exp %mul3A_659 : vector<16xf32>
    %add3A_661 = arith.constant 1.000000e+00 : f32
    %add3A_662 = vector.broadcast %add3A_661 : f32 to vector<16xf32>
    %add3A_663 = arith.addf %add3A_662, %exp3A_660 : vector<16xf32>
    %div3A_664 = arith.constant 1.000000e+00 : f32
    %div3A_665 = vector.broadcast %div3A_664 : f32 to vector<16xf32>
    %div3A_666 = arith.divf %div3A_665, %add3A_663 : vector<16xf32>
    %swap3A_667 = arith.constant 416 : index
    %swap3A_668 = tpu.vector_load %arg10[%swap3A_667] {strides = array<i32>} : memref<512xf32, #tpu.memory_space<vmem>>, vector<16xf32>,
    %swap3A_669 = vector.shape_cast %swap3A_668 : vector<16xf32> to vector<16xf32>
    %swap3A_670 = vector.shape_cast %div3A_666 : vector<16xf32> to vector<16xf32>
    tpu.vector_store %arg10[%swap3A_667], %swap3A_670 {strides = array<i32>} : memref<512xf32, #tpu.memory_space<vmem>>, vector<16xf32>,
    %get3A_671 = arith.constant 432 : index
    %get3A_672 = tpu.vector_load %arg9[%get3A_671] {strides = array<i32>} : memref<512xf32, #tpu.memory_space<vmem>>, vector<16xf32>,
    %get3A_673 = vector.shape_cast %get3A_672 : vector<16xf32> to vector<16xf32>
    %get3A_674 = arith.constant 432 : index
    %get3A_675 = tpu.vector_load %arg8[%get3A_674] {strides = array<i32>} : memref<512xf32, #tpu.memory_space<vmem>>, vector<16xf32>,
    %get3A_676 = vector.shape_cast %get3A_675 : vector<16xf32> to vector<16xf32>
    %sub3A_677 = arith.subf %get3A_673, %get3A_676 : vector<16xf32>
    %mul3A_678 = arith.constant 0.00219722465 : f32
    %mul3A_679 = vector.broadcast %mul3A_678 : f32 to vector<16xf32>
    %mul3A_680 = arith.mulf %sub3A_677, %mul3A_679 : vector<16xf32>
    %exp3A_681 = math.exp %mul3A_680 : vector<16xf32>
    %add3A_682 = arith.constant 1.000000e+00 : f32
    %add3A_683 = vector.broadcast %add3A_682 : f32 to vector<16xf32>
    %add3A_684 = arith.addf %add3A_683, %exp3A_681 : vector<16xf32>
    %div3A_685 = arith.constant 1.000000e+00 : f32
    %div3A_686 = vector.broadcast %div3A_685 : f32 to vector<16xf32>
    %div3A_687 = arith.divf %div3A_686, %add3A_684 : vector<16xf32>
    %swap3A_688 = arith.constant 432 : index
    %swap3A_689 = tpu.vector_load %arg10[%swap3A_688] {strides = array<i32>} : memref<512xf32, #tpu.memory_space<vmem>>, vector<16xf32>,
    %swap3A_690 = vector.shape_cast %swap3A_689 : vector<16xf32> to vector<16xf32>
    %swap3A_691 = vector.shape_cast %div3A_687 : vector<16xf32> to vector<16xf32>
    tpu.vector_store %arg10[%swap3A_688], %swap3A_691 {strides = array<i32>} : memref<512xf32, #tpu.memory_space<vmem>>, vector<16xf32>,
    %get3A_692 = arith.constant 448 : index
    %get3A_693 = tpu.vector_load %arg9[%get3A_692] {strides = array<i32>} : memref<512xf32, #tpu.memory_space<vmem>>, vector<16xf32>,
    %get3A_694 = vector.shape_cast %get3A_693 : vector<16xf32> to vector<16xf32>
    %get3A_695 = arith.constant 448 : index
    %get3A_696 = tpu.vector_load %arg8[%get3A_695] {strides = array<i32>} : memref<512xf32, #tpu.memory_space<vmem>>, vector<16xf32>,
    %get3A_697 = vector.shape_cast %get3A_696 : vector<16xf32> to vector<16xf32>
    %sub3A_698 = arith.subf %get3A_694, %get3A_697 : vector<16xf32>
    %mul3A_699 = arith.constant 0.00219722465 : f32
    %mul3A_700 = vector.broadcast %mul3A_699 : f32 to vector<16xf32>
    %mul3A_701 = arith.mulf %sub3A_698, %mul3A_700 : vector<16xf32>
    %exp3A_702 = math.exp %mul3A_701 : vector<16xf32>
    %add3A_703 = arith.constant 1.000000e+00 : f32
    %add3A_704 = vector.broadcast %add3A_703 : f32 to vector<16xf32>
    %add3A_705 = arith.addf %add3A_704, %exp3A_702 : vector<16xf32>
    %div3A_706 = arith.constant 1.000000e+00 : f32
    %div3A_707 = vector.broadcast %div3A_706 : f32 to vector<16xf32>
    %div3A_708 = arith.divf %div3A_707, %add3A_705 : vector<16xf32>
    %swap3A_709 = arith.constant 448 : index
    %swap3A_710 = tpu.vector_load %arg10[%swap3A_709] {strides = array<i32>} : memref<512xf32, #tpu.memory_space<vmem>>, vector<16xf32>,
    %swap3A_711 = vector.shape_cast %swap3A_710 : vector<16xf32> to vector<16xf32>
    %swap3A_712 = vector.shape_cast %div3A_708 : vector<16xf32> to vector<16xf32>
    tpu.vector_store %arg10[%swap3A_709], %swap3A_712 {strides = array<i32>} : memref<512xf32, #tpu.memory_space<vmem>>, vector<16xf32>,
    %get3A_713 = arith.constant 464 : index
    %get3A_714 = tpu.vector_load %arg9[%get3A_713] {strides = array<i32>} : memref<512xf32, #tpu.memory_space<vmem>>, vector<16xf32>,
    %get3A_715 = vector.shape_cast %get3A_714 : vector<16xf32> to vector<16xf32>
    %get3A_716 = arith.constant 464 : index
    %get3A_717 = tpu.vector_load %arg8[%get3A_716] {strides = array<i32>} : memref<512xf32, #tpu.memory_space<vmem>>, vector<16xf32>,
    %get3A_718 = vector.shape_cast %get3A_717 : vector<16xf32> to vector<16xf32>
    %sub3A_719 = arith.subf %get3A_715, %get3A_718 : vector<16xf32>
    %mul3A_720 = arith.constant 0.00219722465 : f32
    %mul3A_721 = vector.broadcast %mul3A_720 : f32 to vector<16xf32>
    %mul3A_722 = arith.mulf %sub3A_719, %mul3A_721 : vector<16xf32>
    %exp3A_723 = math.exp %mul3A_722 : vector<16xf32>
    %add3A_724 = arith.constant 1.000000e+00 : f32
    %add3A_725 = vector.broadcast %add3A_724 : f32 to vector<16xf32>
    %add3A_726 = arith.addf %add3A_725, %exp3A_723 : vector<16xf32>
    %div3A_727 = arith.constant 1.000000e+00 : f32
    %div3A_728 = vector.broadcast %div3A_727 : f32 to vector<16xf32>
    %div3A_729 = arith.divf %div3A_728, %add3A_726 : vector<16xf32>
    %swap3A_730 = arith.constant 464 : index
    %swap3A_731 = tpu.vector_load %arg10[%swap3A_730] {strides = array<i32>} : memref<512xf32, #tpu.memory_space<vmem>>, vector<16xf32>,
    %swap3A_732 = vector.shape_cast %swap3A_731 : vector<16xf32> to vector<16xf32>
    %swap3A_733 = vector.shape_cast %div3A_729 : vector<16xf32> to vector<16xf32>
    tpu.vector_store %arg10[%swap3A_730], %swap3A_733 {strides = array<i32>} : memref<512xf32, #tpu.memory_space<vmem>>, vector<16xf32>,
    %get3A_734 = arith.constant 480 : index
    %get3A_735 = tpu.vector_load %arg9[%get3A_734] {strides = array<i32>} : memref<512xf32, #tpu.memory_space<vmem>>, vector<16xf32>,
    %get3A_736 = vector.shape_cast %get3A_735 : vector<16xf32> to vector<16xf32>
    %get3A_737 = arith.constant 480 : index
    %get3A_738 = tpu.vector_load %arg8[%get3A_737] {strides = array<i32>} : memref<512xf32, #tpu.memory_space<vmem>>, vector<16xf32>,
    %get3A_739 = vector.shape_cast %get3A_738 : vector<16xf32> to vector<16xf32>
    %sub3A_740 = arith.subf %get3A_736, %get3A_739 : vector<16xf32>
    %mul3A_741 = arith.constant 0.00219722465 : f32
    %mul3A_742 = vector.broadcast %mul3A_741 : f32 to vector<16xf32>
    %mul3A_743 = arith.mulf %sub3A_740, %mul3A_742 : vector<16xf32>
    %exp3A_744 = math.exp %mul3A_743 : vector<16xf32>
    %add3A_745 = arith.constant 1.000000e+00 : f32
    %add3A_746 = vector.broadcast %add3A_745 : f32 to vector<16xf32>
    %add3A_747 = arith.addf %add3A_746, %exp3A_744 : vector<16xf32>
    %div3A_748 = arith.constant 1.000000e+00 : f32
    %div3A_749 = vector.broadcast %div3A_748 : f32 to vector<16xf32>
    %div3A_750 = arith.divf %div3A_749, %add3A_747 : vector<16xf32>
    %swap3A_751 = arith.constant 480 : index
    %swap3A_752 = tpu.vector_load %arg10[%swap3A_751] {strides = array<i32>} : memref<512xf32, #tpu.memory_space<vmem>>, vector<16xf32>,
    %swap3A_753 = vector.shape_cast %swap3A_752 : vector<16xf32> to vector<16xf32>
    %swap3A_754 = vector.shape_cast %div3A_750 : vector<16xf32> to vector<16xf32>
    tpu.vector_store %arg10[%swap3A_751], %swap3A_754 {strides = array<i32>} : memref<512xf32, #tpu.memory_space<vmem>>, vector<16xf32>,
    %get3A_755 = arith.constant 496 : index
    %get3A_756 = tpu.vector_load %arg9[%get3A_755] {strides = array<i32>} : memref<512xf32, #tpu.memory_space<vmem>>, vector<16xf32>,
    %get3A_757 = vector.shape_cast %get3A_756 : vector<16xf32> to vector<16xf32>
    %get3A_758 = arith.constant 496 : index
    %get3A_759 = tpu.vector_load %arg8[%get3A_758] {strides = array<i32>} : memref<512xf32, #tpu.memory_space<vmem>>, vector<16xf32>,
    %get3A_760 = vector.shape_cast %get3A_759 : vector<16xf32> to vector<16xf32>
    %sub3A_761 = arith.subf %get3A_757, %get3A_760 : vector<16xf32>
    %mul3A_762 = arith.constant 0.00219722465 : f32
    %mul3A_763 = vector.broadcast %mul3A_762 : f32 to vector<16xf32>
    %mul3A_764 = arith.mulf %sub3A_761, %mul3A_763 : vector<16xf32>
    %exp3A_765 = math.exp %mul3A_764 : vector<16xf32>
    %add3A_766 = arith.constant 1.000000e+00 : f32
    %add3A_767 = vector.broadcast %add3A_766 : f32 to vector<16xf32>
    %add3A_768 = arith.addf %add3A_767, %exp3A_765 : vector<16xf32>
    %div3A_769 = arith.constant 1.000000e+00 : f32
    %div3A_770 = vector.broadcast %div3A_769 : f32 to vector<16xf32>
    %div3A_771 = arith.divf %div3A_770, %add3A_768 : vector<16xf32>
    %swap3A_772 = arith.constant 496 : index
    %swap3A_773 = tpu.vector_load %arg10[%swap3A_772] {strides = array<i32>} : memref<512xf32, #tpu.memory_space<vmem>>, vector<16xf32>,
    %swap3A_774 = vector.shape_cast %swap3A_773 : vector<16xf32> to vector<16xf32>
    %swap3A_775 = vector.shape_cast %div3A_771 : vector<16xf32> to vector<16xf32>
    tpu.vector_store %arg10[%swap3A_772], %swap3A_775 {strides = array<i32>} : memref<512xf32, #tpu.memory_space<vmem>>, vector<16xf32>,
    %add3A_776 = arith.constant 256 : i32
    %add3A_777 = arith.addi %mul3A_2, %add3A_776 : i32
    %dma_start3A_778 = arith.constant 256 : i32
    %dma_start3A_779 = tpu.memref_slice %arg10[%dma_start3A_778] : memref<512xf32, #tpu.memory_space<vmem>> -> memref<256xf32, #tpu.memory_space<vmem>>
    %dma_start3A_780 = tpu.memref_slice %arg5[%add3A_777] : memref<16384xf32, #tpu.memory_space<hbm>> -> memref<256xf32, #tpu.memory_space<hbm>>
    %dma_start3A_781 = tpu.memref_slice %arg5[%add3A_777] : memref<16384xf32, #tpu.memory_space<hbm>> -> memref<256xf32, #tpu.memory_space<hbm>>
    %dma_start3A_782 = arith.constant 256 : i32
    %dma_start3A_783 = tpu.memref_slice %arg10[%dma_start3A_782] : memref<512xf32, #tpu.memory_space<vmem>> -> memref<256xf32, #tpu.memory_space<vmem>>
    tpu.enqueue_dma source(%dma_start3A_783 : memref<256xf32, #tpu.memory_space<vmem>>) target(%dma_start3A_781 : memref<256xf32, #tpu.memory_space<hbm>>) target_semaphore(%arg15 : memref<!tpu.dma_semaphore, #tpu.memory_space<semaphore_mem>>)
    %dma_wait3A_784 = arith.constant 0 : i32
    %dma_wait3A_785 = tpu.memref_slice %arg10[%dma_wait3A_784] : memref<512xf32, #tpu.memory_space<vmem>> -> memref<256xf32, #tpu.memory_space<vmem>>
    %dma_wait3A_786 = tpu.memref_slice %arg5[%add3A_421] : memref<16384xf32, #tpu.memory_space<hbm>> -> memref<256xf32, #tpu.memory_space<hbm>>
    %dma_wait3A_787 = tpu.memref_slice %arg5[%add3A_421] : memref<16384xf32, #tpu.memory_space<hbm>> -> memref<256xf32, #tpu.memory_space<hbm>>
    %dma_wait3A_788 = arith.constant 0 : i32
    %dma_wait3A_789 = tpu.memref_slice %arg10[%dma_wait3A_788] : memref<512xf32, #tpu.memory_space<vmem>> -> memref<256xf32, #tpu.memory_space<vmem>>
    tpu.wait_dma2 semaphore(%arg15 : memref<!tpu.dma_semaphore, #tpu.memory_space<semaphore_mem>>) src(%dma_wait3A_789 : memref<256xf32, #tpu.memory_space<vmem>>) dst(%dma_wait3A_787 : memref<256xf32, #tpu.memory_space<hbm>>)
    %dma_wait3A_790 = arith.constant 256 : i32
    %dma_wait3A_791 = tpu.memref_slice %arg10[%dma_wait3A_790] : memref<512xf32, #tpu.memory_space<vmem>> -> memref<256xf32, #tpu.memory_space<vmem>>
    %dma_wait3A_792 = tpu.memref_slice %arg5[%add3A_777] : memref<16384xf32, #tpu.memory_space<hbm>> -> memref<256xf32, #tpu.memory_space<hbm>>
    %dma_wait3A_793 = tpu.memref_slice %arg5[%add3A_777] : memref<16384xf32, #tpu.memory_space<hbm>> -> memref<256xf32, #tpu.memory_space<hbm>>
    %dma_wait3A_794 = arith.constant 256 : i32
    %dma_wait3A_795 = tpu.memref_slice %arg10[%dma_wait3A_794] : memref<512xf32, #tpu.memory_space<vmem>> -> memref<256xf32, #tpu.memory_space<vmem>>
    tpu.wait_dma2 semaphore(%arg15 : memref<!tpu.dma_semaphore, #tpu.memory_space<semaphore_mem>>) src(%dma_wait3A_795 : memref<256xf32, #tpu.memory_space<vmem>>) dst(%dma_wait3A_793 : memref<256xf32, #tpu.memory_space<hbm>>)
    return
  }
}

</mosaic_0001>

<sc_bundles>
// kernel: kernel.3.cloned.1.call-start
scs
__scs_entry_jumppad:
0x0: {  	(pc) =	sbr.rel $0x88, $3  }
0x1: {  	(tag) =	ssettag $0x0;
	lr =	simm.s32 $0x1  }
0x2: {  	[smem:$0x3F9E] =	sst lr;
	_ =	strace $0xD0000000  }
0x3: {  	_ = 	snop  }
0x4: {  	_ = 	snop  }
0x5: {  	_ = 	snop  }
0x6: {  	_ = 	snop  }
0x7: {  	_ = 	snop  }
__scs_overlays_trampoline_lowered:
0x8: {  	[smem:$0x3FAD] =	sst s0  }
0x9: {  	[smem:$0x3FAE] =	sst s1  }
0xa: {  	[smem:$0x3FAF] =	sst s2  }
0xb: {  	[smem:$0x3FB0] =	sst s3  }
0xc: {  	[smem:$0x3FB1] =	sst s4  }
0xd: {  	[smem:$0x3FB2] =	sst s5  }
0xe: {  	[smem:$0x3FB3] =	sst s6  }
0xf: {  	[smem:$0x3FB4] =	sst s7  }
0x10: {  	[smem:$0x3FB5] =	sst s8  }
0x11: {  	[smem:$0x3FB6] =	sst s9;
	s0 =	simm.s32 @!p0 $0x0  }
0x12: {  	s1 =	sld [smem:$0x3F9C];
	s0 =	simm.s32 @p0 $0x1  }
0x13: {  	[smem:$0x3FB7] =	sst s0;
	s0 =	simm.s32 @!p1 $0x0  }
0x14: {  	s2 =	sld [smem:$0x3F9B];
	s0 =	simm.s32 @p1 $0x1  }
0x15: {  	[smem:$0x3FB8] =	sst s0;
	s0 =	simm.s32 @!p2 $0x0  }
0x16: {  	s3 =	sld [smem:$0x3FDB];
	s0 =	simm.s32 @p2 $0x1  }
0x17: {  	s4 =	simm.s32 $0x1BF5;
	[smem:$0x3FBA] =	sst s0  }
0x18: {  	s0 =	sld [smem:$0x3F9D];
	_ =	swait.ge [sflag:s4], $0x0  }
0x19: {  	s7 =	sld [smem:$0x3F9E]  }
0x1a: {  	s8 =	sadd.s32 $0xFFFFE003, lr  }
0x1b: {  	s9 =	sadd.s32 $0xFFFFFEF7, lr;
	s5 =	simm.s32 $0xFFFFFFFF;
	p2 =	slt.u32 s8, $0xFFFFF086  }
0x1c: {  	p1 =	slt.u32 s9, $0xF7A;
	s5 =	simm.s32 @!p2 $0x0  }
0x1d: {  	s5 =	simm.s32 @p1 $0x1;
	p0 =	seq.s32 s7, s2  }
0x1e: {  	s7 =	smul.u32 @!p0 $0xF7A, s2;
	p2 =	seq.s32 @!p0 s5, $0x0  }
0x1f: {  	s9 =	smul.u32 $0xF7A, s1;
	s8 =	simm.s32 @!p0 $0x1BF5;
	p2 =	por !p2, p0  }
0x20: {  	[sflag:s8] =	ssyncset.s32 @!p0 $0xFFFFF086;
	s6 =	sadd.s32 @!p0 s3, s7;
	s7 =	simm.s32 @!p0 $0x108  }
0x21: {  	s3 =	sadd.s32 s3, s9;
	s6 =	sadd.s32 @!p0 $0x88, s6;
	s7 =	simm.s32 @p2 $0x1082  }
0x22: {  	[simem:s7], [sflag:s8] =	dma.local @!p0 [hbm:s6], $0xF7A  }
0x23: {  	s9 =	sor.u32 $0xD0000000, s2;
	s6 =	simm.s32 $0x108;
	_ =	swait.ge @!p0 [sflag:s8], $0x0  }
0x24: {  	s3 =	sadd.s32 $0x88, s3;
	s6 =	simm.s32 @!p1 $0x1082;
	[sflag:s4] =	ssyncset.s32 $0xFFFFF086  }
0x25: {  	[simem:s6], [sflag:s4] =	dma.local [hbm:s3], $0xF7A  }
0x26: {  	[smem:$0x3F9E] =	sst s1;
	(tag) =	ssettag s2;
	_ =	strace s9  }
0x27: {  	s1 =	sld [smem:$0x3FAE]  }
0x28: {  	s2 =	sld [smem:$0x3FAF]  }
0x29: {  	s4 =	sld [smem:$0x3FB1]  }
0x2a: {  	p0 =	seq.s32 s5, $0x0;
	s5 =	sld [smem:$0x3FB2]  }
0x2b: {  	s6 =	sld [smem:$0x3FB3]  }
0x2c: {  	s7 =	sld [smem:$0x3FB4]  }
0x2d: {  	s3 =	simm.s32 $0x108;
	s8 =	sld [smem:$0x3FB5]  }
0x2e: {  	s3 =	simm.s32 @!p0 $0x1082;
	s9 =	sld [smem:$0x3FB6]  }
0x2f: {  	lr =	sadd.s32 s0, s3;
	s0 =	sld [smem:$0x3FAD]  }
0x30: {  	s3 =	sld [smem:$0x3FB0]  }
0x31: {  	[smem:$0x3FB9] =	sst s10  }
0x32: {  	s10 =	sld [smem:$0x3FB7];
	_ =	sdelay $0x3  }
0x33: {  	p0 =	seq.s32 s10, $0x1;
	s10 =	sld [smem:$0x3FB9];
	_ =	sdelay $0x3  }
0x34: {  	[smem:$0x3FB9] =	sst s10  }
0x35: {  	s10 =	sld [smem:$0x3FB8];
	_ =	sdelay $0x3  }
0x36: {  	p1 =	seq.s32 s10, $0x1;
	s10 =	sld [smem:$0x3FB9];
	_ =	sdelay $0x3  }
0x37: {  	[smem:$0x3FB9] =	sst s10  }
0x38: {  	s10 =	sld [smem:$0x3FBA]  }
0x39: {  	_ = 	snop;
	(pc) =	sbr.ind lr, $3  }
0x3a: {  	_ = 	snop  }
0x3b: {  	_ = 	snop  }
0x3c: {  	p2 =	seq.s32 s10, $0x1;
	s10 =	sld [smem:$0x3FB9]  }
0x3d: {  	_ =	shalt  }
0x3e: {  	_ =	shalt  }
0x3f: {  	_ =	shalt  }
0x40: {  	_ =	shalt  }
0x41: {  	_ =	shalt  }
0x42: {  	_ =	shalt  }
0x43: {  	_ =	shalt  }
0x44: {  	_ =	shalt  }
0x45: {  	_ =	shalt  }
0x46: {  	_ =	shalt  }
0x47: {  	_ =	shalt  }
0x48: {  	_ =	shalt  }
0x49: {  	_ =	shalt  }
0x4a: {  	_ =	shalt  }
0x4b: {  	_ =	shalt  }
0x4c: {  	_ =	shalt  }
0x4d: {  	_ =	shalt  }
0x4e: {  	_ =	shalt  }
0x4f: {  	_ =	shalt  }
0x50: {  	_ =	shalt  }
0x51: {  	_ =	shalt  }
0x52: {  	_ =	shalt  }
0x53: {  	_ =	shalt  }
0x54: {  	_ =	shalt  }
0x55: {  	_ =	shalt  }
0x56: {  	_ =	shalt  }
0x57: {  	_ =	shalt  }
0x58: {  	_ =	shalt  }
0x59: {  	_ =	shalt  }
0x5a: {  	_ =	shalt  }
0x5b: {  	_ =	shalt  }
0x5c: {  	_ =	shalt  }
0x5d: {  	_ =	shalt  }
0x5e: {  	_ =	shalt  }
0x5f: {  	_ =	shalt  }
0x60: {  	_ =	shalt  }
0x61: {  	_ =	shalt  }
0x62: {  	_ =	shalt  }
0x63: {  	_ =	shalt  }
0x64: {  	_ =	shalt  }
0x65: {  	_ =	shalt  }
0x66: {  	_ =	shalt  }
0x67: {  	_ =	shalt  }
0x68: {  	_ =	shalt  }
0x69: {  	_ =	shalt  }
0x6a: {  	_ =	shalt  }
0x6b: {  	_ =	shalt  }
0x6c: {  	_ =	shalt  }
0x6d: {  	_ =	shalt  }
0x6e: {  	_ =	shalt  }
0x6f: {  	_ =	shalt  }
0x70: {  	_ =	shalt  }
0x71: {  	_ =	shalt  }
0x72: {  	_ =	shalt  }
0x73: {  	_ =	shalt  }
0x74: {  	_ =	shalt  }
0x75: {  	_ =	shalt  }
0x76: {  	_ =	shalt  }
0x77: {  	_ =	shalt  }
0x78: {  	_ =	shalt  }
0x79: {  	_ =	shalt  }
0x7a: {  	_ =	shalt  }
0x7b: {  	_ =	shalt  }
0x7c: {  	_ =	shalt  }
0x7d: {  	_ =	shalt  }
0x7e: {  	_ =	shalt  }
0x7f: {  	_ =	shalt  }
0x80: {  	_ =	shalt  }
0x81: {  	_ =	shalt  }
0x82: {  	_ =	shalt  }
0x83: {  	_ =	shalt  }
0x84: {  	_ =	shalt  }
0x85: {  	_ =	shalt  }
0x86: {  	_ =	shalt  }
0x87: {  	_ =	shalt  }
.Lfunc_end0:
.L_simem_size_0:
called_computation_lowered:
.L_overlay_start_0:
0x88: {  	s2 =	sld [smem:$0x3FD9]  }
0x89: {  	s3 =	sld [smem:$0x3FFE];
	_ =	sdelay $0x1  }
0x8a: {  	s1 =	srdreg.scid  }
0x8b: {  	s0 =	sand.u32 $0x1, s1  }
0x8c: {  	s18 =	sshll.u32 s0, $0xA;
	s2 =	sadd.s32 s3, s2  }
0x8d: {  	s2 =	sadd.s32 s2, s18  }
0x8e: {  	[smem:$0x3FC5] =	sst s2  }
0x8f: {  	_ = 	snop  }
0x90: {  	s2 =	sld [smem:$0x3FC9]  }
0x91: {  	s19 =	sld [smem:$0x3FC8]  }
0x92: {  	s4 =	sld [smem:$0x3FC7]  }
0x93: {  	s5 =	sld [smem:$0x3FD0];
	(tm) =	ssettm $0x1  }
0x94: {  	s6 =	sld [smem:$0x3FFB];
	_ =	sdelay $0x3  }
0x95: {  	_ =	strace s6  }
0x96: {  	s6 =	sld [smem:$0x3FFC];
	_ =	sdelay $0x3  }
0x97: {  	_ =	strace s6  }
0x98: {  	s6 =	sld [smem:$0x3FFD];
	_ =	sdelay $0x3  }
0x99: {  	_ =	strace s6  }
0x9a: {  	_ =	strace $0x8FFFFFFF  }
0x9b: {  	s20 =	sld [smem:$0x3FDB];
	_ =	sdelay $0x1  }
0x9c: {  	s7 =	simm.s32 $_scs_section_size  }
0x9d: {  	s8 =	simm.s32 $_size__tile_overlayer_lowered;
	s9 =	simm.s32 $_tile_overlayer_lowered  }
0x9e: {  	s23 =	simm.s32 $0x1BFF;
	s22 =	sshll.u32 s9, $0x1;
	s6 =	sadd.s32 s7, s20  }
0x9f: {  	s10 =	simm.s32 $0x0;
	s21 =	sshll.u32 s8, $0x1;
	s8 =	sadd.s32 s22, s6  }
0xa0: {  	[timem:s10], [sflag:s23] =	dma.local [hbm:s8], s21  }
0xa1: {  	_ =	swait.ge [sflag:s23], s21  }
0xa2: {  	s7 =	ssub.s32 $0x0, s21;
	[sflag:s23] =	ssyncset.done $0x0  }
0xa3: {  	[sflag:s23] =	ssyncadd.s32 s7;
	_ =	sdelay $0x1  }
0xa4: {  	s24 =	simm.s32 $0x1B8B  }
0xa5: {  	_ =	swait.ge [sflag:s24], $0x1  }
0xa6: {  	[sflag:s24] =	ssyncset.done $0x0  }
0xa7: {  	s25 =	simm.s32 $0x1B8E;
	[sflag:s24] =	ssyncadd.s32 $0xFFFFFFFF  }
0xa8: {  	s26 =	simm.s32 $execute0_lowered;
	[smem:$0x3FD2] =	sst s25  }
0xa9: {  	s7 =	sshll.u32 s26, $0x1;
	_ =	strace $0x80000046;
	[dreg:$0x1] =	wrdreg $0xFFFFFFFF  }
0xaa: {  	s28 =	simm.s32 $_size_execute0_lowered;
	s6 =	sadd.s32 s6, s7;
	[dreg:$0x0] =	wrdreg $0x0  }
0xab: {  	s7 =	sshll.u32 s28, $0x1;
	[dreg:$0x2] =	wrdreg s6  }
0xac: {  	[dreg:$0x3] =	wrdreg s7  }
0xad: {  	[dreg:$0x4] =	wrdreg $0xC0  }
0xae: {  	_ =	task [dreg:s10], $0x5FFFF  }
0xaf: {  	[dreg:$0x1] =	wrdreg $0xFFFFFFFF  }
0xb0: {  	[dreg:$0x0] =	wrdreg $0x60  }
0xb1: {  	[dreg:$0x2] =	wrdreg s2  }
0xb2: {  	[dreg:$0x3] =	wrdreg s19  }
0xb3: {  	[dreg:$0x4] =	wrdreg s4  }
0xb4: {  	[dreg:$0x5] =	wrdreg s5  }
0xb5: {  	[dreg:$0x6] =	wrdreg $0x9  }
0xb6: {  	_ =	task.clear_ibuf [dreg:s10], $0x7FFFF;
	_ =	strace $0x90000046  }
0xb7: {  	s29 =	simm.s32 $0x9;
	_ =	strace $0x80000048  }
0xb8: {  	_ =	swait.ge [sflag:s29], $0x1  }
0xb9: {  	[sflag:s29] =	ssyncadd.s32 $0xFFFFFFFF  }
0xba: {  	_ =	strace $0x90000048  }
0xbb: {  	_ =	sfence  }
0xbc: {  	s30 =	sld [smem:$0x0];
	_ =	sdelay $0x2  }
0xbd: {  	s31 =	sshll.u32 s1, $0xD;
	s1 =	sshrl.u32 s1, $0x2  }
0xbe: {  	s3 =	sand.u32 $0x4000, s31;
	s1 =	sadd.s32 s1, s30  }
0xbf: {  	s0 =	sor.u32 s3, s0;
	s1 =	sshll.u32 s1, $0x11  }
0xc0: {  	s0 =	sor.u32 s1, s0  }
0xc1: {  	s0 =	sadd.s32 $0x8F2B, s0  }
0xc2: {  	[sflag:s0] =	ssyncadd.remote.s32 $0x1  }
0xc3: {  	_ =	sfence.sel $0xFFFF  }
0xc4: {  	[dreg:$0x0] =	wrdreg $0xFFFFFFFF;
	(pc) =	sbr.abs _section_cstart, $3  }
0xc5: {  	[dreg:$0x1] =	wrdreg $0xFFFFFFFF  }
0xc6: {  	_ =	task.clear_ibuf [dreg:s10], $0x2FFFF;
	_ =	strace $0x9FFFFFFF  }
0xc7: {  	(tm) =	ssettm $0x7FFFFFFF  }
tec
execute0_lowered:
.L_overlay_start_1:
0x0: {  	(tag) =	ssettag $0x1  }
0x1: {  	s6 =	rddreg [dreg:$0x0]  }
0x2: {  	s7 =	rddreg [dreg:$0x1]  }
0x3: {  	s1 =	rddreg [dreg:$0x2]  }
0x4: {  	s9 =	rddreg [dreg:$0x3]  }
0x5: {  	s0 =	rddreg [dreg:$0x4];
	s4 =	srdreg.scid  }
0x6: {  	s3 =	simm.s32 $0x0;
	s2 =	stileid.u32;
	s12 =	simm.s32 $0x100  }
0x7: {  	s13 =	simm.s32 $0x300;
	s14 =	simm.s32 $0x1;
	s15 =	simm.s32 $0x400  }
0x8: {  	s16 =	simm.s32 $0x600;
	s17 =	simm.s32 $0x2;
	s18 =	simm.s32 $0x500  }
0x9: {  	s19 =	simm.s32 $0x700;
	s20 =	simm.s32 $0x3;
	s21 =	simm.s32 $0x800  }
0xa: {  	s22 =	simm.s32 $0x4;
	s23 =	simm.s32 $0x900;
	s4 =	sand.u32 $0x1, s4  }
0xb: {  	s24 =	simm.s32 $0x5;
	s8 =	sshll.u32 s2, $0x7;
	s5 =	ssub.s32 $0x2, s4  }
0xc: {  	[smem:$0x7FF] =	sst s3;
	s4 =	sshll.u32 s4, $0x6;
	s10 =	sshrl.u32 s5, $0x1  }
0xd: {  	_ =	strace $0x80000047;
	s8 =	sor.u32 s4, s8;
	s10 =	ssub.s32 s5, s10  }
0xe: {  	s11 =	sor.u32 $0x20, s8;
	s4 =	sadd.s32 s6, s8;
	s5 =	sadd.s32 s7, s8  }
0xf: {  	s8 =	sadd.s32 s9, s8;
	s6 =	sadd.s32 s6, s11;
	s7 =	sadd.s32 s7, s11  }
0x10: {  	s9 =	sadd.s32 s9, s11;
	s10 =	smax.u32 s10, $0x1;
	s11 =	simm.s32 $0x200  }
.LBB2_1:
0x11: {  	[tilespmem:s3], [sflag:$0x1] =	stream.linear.gather [hbm4b:s4+s3], $0x100, $0x38;
	[tilespmem:$0xA00] =	vst v63  }
0x12: {  	_ = 	snop  }
0x13: {  	[tilespmem:s11], [sflag:$0x1] =	stream.linear.gather [hbm4b:s5+s3], $0x100, $0x38;
	[tilespmem:$0xA00] =	vst v63  }
0x14: {  	_ = 	snop  }
0x15: {  	[tilespmem:s12], [sflag:$0x2] =	stream.linear.gather [hbm4b:s6+s3], $0x100, $0x38;
	[tilespmem:$0xA00] =	vst v63  }
0x16: {  	_ = 	snop  }
0x17: {  	[tilespmem:s13], [sflag:$0x2] =	stream.linear.gather [hbm4b:s7+s3], $0x100, $0x38;
	[tilespmem:$0xA00] =	vst v63  }
0x18: {  	_ =	swait.ge [sflag:s14], $0x100  }
0x19: {  	[sflag:s14] =	ssyncset.done $0x0  }
0x1a: {  	[sflag:s14] =	ssyncadd.s32 $0xFFFFFF00  }
0x1b: {  	_ =	swait.ge [sflag:s14], $0x100  }
0x1c: {  	[sflag:s14] =	ssyncset.done $0x0  }
0x1d: {  	[sflag:s14] =	ssyncadd.s32 $0xFFFFFF00  }
0x1e: {  	[tilespmem:s15], [sflag:$0x3] =	stream.indirect.gather [hbm4b:s1+s12], $0x1, s3, s12, $0xb8;
	[tilespmem:$0xA00] =	vst v63  }
0x1f: {  	_ = 	snop  }
0x20: {  	[tilespmem:s16], [sflag:$0x3] =	stream.indirect.gather [hbm4b:s1+s12], $0x1, s11, s12, $0xb8;
	[tilespmem:$0xA00] =	vst v63  }
0x21: {  	_ =	swait.ge [sflag:s17], $0x100  }
0x22: {  	[sflag:s17] =	ssyncset.done $0x0  }
0x23: {  	[sflag:s17] =	ssyncadd.s32 $0xFFFFFF00  }
0x24: {  	_ =	swait.ge [sflag:s17], $0x100  }
0x25: {  	[sflag:s17] =	ssyncset.done $0x0  }
0x26: {  	[sflag:s17] =	ssyncadd.s32 $0xFFFFFF00  }
0x27: {  	[tilespmem:s18], [sflag:$0x4] =	stream.indirect.gather [hbm4b:s1+s12], $0x1, s12, s12, $0xb8;
	[tilespmem:$0xA00] =	vst v63  }
0x28: {  	_ = 	snop  }
0x29: {  	[tilespmem:s19], [sflag:$0x4] =	stream.indirect.gather [hbm4b:s1+s12], $0x1, s13, s12, $0xb8;
	[tilespmem:$0xA00] =	vst v63  }
0x2a: {  	_ =	swait.ge [sflag:s20], $0x100  }
0x2b: {  	[sflag:s20] =	ssyncset.done $0x0  }
0x2c: {  	[sflag:s20] =	ssyncadd.s32 $0xFFFFFF00  }
0x2d: {  	_ =	swait.ge [sflag:s20], $0x100  }
0x2e: {  	[sflag:s20] =	ssyncset.done $0x0  }
0x2f: {  	[sflag:s20] =	ssyncadd.s32 $0xFFFFFF00  }
0x30: {  	v0 =	vld [tilespmem:$0x600]  }
0x31: {  	v1 =	vld [tilespmem:$0x400];
	_ =	sdelay $0x4  }
0x32: {  	v0 =	vsub.f32 v0, v1;
	_ =	sdelay $0x1  }
0x33: {  	v0 =	vmul.f32 $2.197224650e-03, v0;
	_ =	sdelay $0x1  }
0x34: {  	v0 =	vmul.f32 $1.442695020e+00, v0;
	_ =	sdelay $0x1  }
0x35: {  	(erf) = vpow2.f32 v0  }
0x36: {  	v49 =	vld [tilespmem:$0x610]  }
0x37: {  	v50 =	vld [tilespmem:$0x410];
	_ =	sdelay $0x4  }
0x38: {  	v0 =	vsub.f32 v49, v50;
	_ =	sdelay $0x1  }
0x39: {  	v0 =	vmul.f32 $2.197224650e-03, v0;
	v51 =	vpop (erf)  }
0x3a: {  	v1 =	vadd.f32 $1.000000000e+00, v51  }
0x3b: {  	v0 =	vmul.f32 $1.442695020e+00, v0  }
0x3c: {  	(erf) = vrcp.f32 v1  }
0x3d: {  	(erf) = vpow2.f32 v0  }
0x3e: {  	v52 =	vld [tilespmem:$0x620]  }
0x3f: {  	v53 =	vld [tilespmem:$0x420];
	_ =	sdelay $0x4  }
0x40: {  	v1 =	vsub.f32 v52, v53  }
0x41: {  	v54 =	vpop (erf)  }
0x42: {  	v1 =	vmul.f32 $2.197224650e-03, v1;
	v2 =	vpop (erf)  }
0x43: {  	v2 =	vadd.f32 $1.000000000e+00, v2  }
0x44: {  	v1 =	vmul.f32 $1.442695020e+00, v1  }
0x45: {  	(erf) = vrcp.f32 v2  }
0x46: {  	(erf) = vpow2.f32 v1  }
0x47: {  	v55 =	vld [tilespmem:$0x630]  }
0x48: {  	v56 =	vld [tilespmem:$0x430];
	_ =	sdelay $0x4  }
0x49: {  	v1 =	vsub.f32 v55, v56  }
0x4a: {  	v57 =	vpop (erf)  }
0x4b: {  	v1 =	vmul.f32 $2.197224650e-03, v1;
	v3 =	vpop (erf)  }
0x4c: {  	v3 =	vadd.f32 $1.000000000e+00, v3  }
0x4d: {  	v1 =	vmul.f32 $1.442695020e+00, v1  }
0x4e: {  	(erf) = vrcp.f32 v3  }
0x4f: {  	(erf) = vpow2.f32 v1  }
0x50: {  	v58 =	vld [tilespmem:$0x640]  }
0x51: {  	v59 =	vld [tilespmem:$0x440];
	_ =	sdelay $0x4  }
0x52: {  	v1 =	vsub.f32 v58, v59  }
0x53: {  	v60 =	vpop (erf)  }
0x54: {  	v1 =	vmul.f32 $2.197224650e-03, v1;
	v4 =	vpop (erf)  }
0x55: {  	v4 =	vadd.f32 $1.000000000e+00, v4  }
0x56: {  	v1 =	vmul.f32 $1.442695020e+00, v1  }
0x57: {  	(erf) = vrcp.f32 v4  }
0x58: {  	(erf) = vpow2.f32 v1  }
0x59: {  	v61 =	vld [tilespmem:$0x650]  }
0x5a: {  	v62 =	vld [tilespmem:$0x450];
	_ =	sdelay $0x4  }
0x5b: {  	v1 =	vsub.f32 v61, v62  }
0x5c: {  	v63 =	vpop (erf)  }
0x5d: {  	v1 =	vmul.f32 $2.197224650e-03, v1;
	v5 =	vpop (erf)  }
0x5e: {  	v5 =	vadd.f32 $1.000000000e+00, v5  }
0x5f: {  	v1 =	vmul.f32 $1.442695020e+00, v1  }
0x60: {  	(erf) = vrcp.f32 v5  }
0x61: {  	(erf) = vpow2.f32 v1  }
0x62: {  	v18 =	vld [tilespmem:$0x660]  }
0x63: {  	v19 =	vld [tilespmem:$0x460];
	_ =	sdelay $0x4  }
0x64: {  	v1 =	vsub.f32 v18, v19  }
0x65: {  	v20 =	vpop (erf)  }
0x66: {  	v1 =	vmul.f32 $2.197224650e-03, v1;
	v6 =	vpop (erf)  }
0x67: {  	v6 =	vadd.f32 $1.000000000e+00, v6  }
0x68: {  	v1 =	vmul.f32 $1.442695020e+00, v1  }
0x69: {  	(erf) = vrcp.f32 v6  }
0x6a: {  	(erf) = vpow2.f32 v1  }
0x6b: {  	v21 =	vld [tilespmem:$0x670]  }
0x6c: {  	v22 =	vld [tilespmem:$0x470];
	_ =	sdelay $0x4  }
0x6d: {  	v1 =	vsub.f32 v21, v22  }
0x6e: {  	v23 =	vpop (erf)  }
0x6f: {  	v1 =	vmul.f32 $2.197224650e-03, v1;
	v7 =	vpop (erf)  }
0x70: {  	v7 =	vadd.f32 $1.000000000e+00, v7  }
0x71: {  	v1 =	vmul.f32 $1.442695020e+00, v1  }
0x72: {  	(erf) = vrcp.f32 v7  }
0x73: {  	(erf) = vpow2.f32 v1  }
0x74: {  	v24 =	vld [tilespmem:$0x680]  }
0x75: {  	v25 =	vld [tilespmem:$0x480];
	_ =	sdelay $0x4  }
0x76: {  	v1 =	vsub.f32 v24, v25  }
0x77: {  	v26 =	vpop (erf)  }
0x78: {  	v1 =	vmul.f32 $2.197224650e-03, v1;
	v8 =	vpop (erf)  }
0x79: {  	v8 =	vadd.f32 $1.000000000e+00, v8  }
0x7a: {  	v1 =	vmul.f32 $1.442695020e+00, v1  }
0x7b: {  	(erf) = vrcp.f32 v8  }
0x7c: {  	(erf) = vpow2.f32 v1  }
0x7d: {  	v27 =	vld [tilespmem:$0x690]  }
0x7e: {  	v28 =	vld [tilespmem:$0x490];
	_ =	sdelay $0x4  }
0x7f: {  	v1 =	vsub.f32 v27, v28  }
0x80: {  	v29 =	vpop (erf)  }
0x81: {  	v1 =	vmul.f32 $2.197224650e-03, v1;
	v9 =	vpop (erf)  }
0x82: {  	v9 =	vadd.f32 $1.000000000e+00, v9  }
0x83: {  	v1 =	vmul.f32 $1.442695020e+00, v1  }
0x84: {  	(erf) = vrcp.f32 v9  }
0x85: {  	(erf) = vpow2.f32 v1  }
0x86: {  	v30 =	vld [tilespmem:$0x6A0]  }
0x87: {  	v31 =	vld [tilespmem:$0x4A0];
	_ =	sdelay $0x4  }
0x88: {  	v1 =	vsub.f32 v30, v31  }
0x89: {  	v32 =	vpop (erf)  }
0x8a: {  	v1 =	vmul.f32 $2.197224650e-03, v1;
	v10 =	vpop (erf)  }
0x8b: {  	v10 =	vadd.f32 $1.000000000e+00, v10  }
0x8c: {  	v1 =	vmul.f32 $1.442695020e+00, v1  }
0x8d: {  	(erf) = vrcp.f32 v10  }
0x8e: {  	(erf) = vpow2.f32 v1  }
0x8f: {  	v33 =	vld [tilespmem:$0x6B0]  }
0x90: {  	v34 =	vld [tilespmem:$0x4B0];
	_ =	sdelay $0x4  }
0x91: {  	v1 =	vsub.f32 v33, v34  }
0x92: {  	v35 =	vpop (erf)  }
0x93: {  	v1 =	vmul.f32 $2.197224650e-03, v1;
	v11 =	vpop (erf)  }
0x94: {  	v11 =	vadd.f32 $1.000000000e+00, v11  }
0x95: {  	v1 =	vmul.f32 $1.442695020e+00, v1  }
0x96: {  	(erf) = vrcp.f32 v11  }
0x97: {  	(erf) = vpow2.f32 v1  }
0x98: {  	v36 =	vld [tilespmem:$0x6C0]  }
0x99: {  	v37 =	vld [tilespmem:$0x4C0];
	_ =	sdelay $0x4  }
0x9a: {  	v1 =	vsub.f32 v36, v37  }
0x9b: {  	v38 =	vpop (erf)  }
0x9c: {  	v1 =	vmul.f32 $2.197224650e-03, v1;
	v12 =	vpop (erf)  }
0x9d: {  	v12 =	vadd.f32 $1.000000000e+00, v12  }
0x9e: {  	v1 =	vmul.f32 $1.442695020e+00, v1  }
0x9f: {  	(erf) = vrcp.f32 v12  }
0xa0: {  	(erf) = vpow2.f32 v1  }
0xa1: {  	v39 =	vld [tilespmem:$0x6D0]  }
0xa2: {  	v40 =	vld [tilespmem:$0x4D0];
	_ =	sdelay $0x4  }
0xa3: {  	v1 =	vsub.f32 v39, v40  }
0xa4: {  	v41 =	vpop (erf)  }
0xa5: {  	v1 =	vmul.f32 $2.197224650e-03, v1;
	v13 =	vpop (erf)  }
0xa6: {  	v13 =	vadd.f32 $1.000000000e+00, v13  }
0xa7: {  	v1 =	vmul.f32 $1.442695020e+00, v1  }
0xa8: {  	(erf) = vrcp.f32 v13  }
0xa9: {  	(erf) = vpow2.f32 v1  }
0xaa: {  	v42 =	vld [tilespmem:$0x6E0]  }
0xab: {  	v43 =	vld [tilespmem:$0x4E0];
	_ =	sdelay $0x4  }
0xac: {  	v1 =	vsub.f32 v42, v43  }
0xad: {  	v44 =	vpop (erf)  }
0xae: {  	v1 =	vmul.f32 $2.197224650e-03, v1;
	v14 =	vpop (erf)  }
0xaf: {  	v14 =	vadd.f32 $1.000000000e+00, v14  }
0xb0: {  	v1 =	vmul.f32 $1.442695020e+00, v1  }
0xb1: {  	(erf) = vrcp.f32 v14  }
0xb2: {  	(erf) = vpow2.f32 v1  }
0xb3: {  	v45 =	vld [tilespmem:$0x6F0]  }
0xb4: {  	v46 =	vld [tilespmem:$0x4F0];
	_ =	sdelay $0x4  }
0xb5: {  	v1 =	vsub.f32 v45, v46  }
0xb6: {  	v47 =	vpop (erf)  }
0xb7: {  	v1 =	vmul.f32 $2.197224650e-03, v1;
	v15 =	vpop (erf)  }
0xb8: {  	v15 =	vadd.f32 $1.000000000e+00, v15  }
0xb9: {  	v1 =	vmul.f32 $1.442695020e+00, v1  }
0xba: {  	(erf) = vrcp.f32 v15  }
0xbb: {  	(erf) = vpow2.f32 v1;
	_ =	sdelay $0x6  }
0xbc: {  	[tilespmem:$0x800] =	vst v54  }
0xbd: {  	[tilespmem:$0x810] =	vst v57;
	v48 =	vpop (erf)  }
0xbe: {  	[tilespmem:$0x820] =	vst v60;
	v1 =	vpop (erf)  }
0xbf: {  	[tilespmem:$0x830] =	vst v63;
	v1 =	vadd.f32 $1.000000000e+00, v1  }
0xc0: {  	[tilespmem:$0x840] =	vst v20  }
0xc1: {  	[tilespmem:$0x850] =	vst v23;
	(erf) = vrcp.f32 v1  }
0xc2: {  	[tilespmem:$0x860] =	vst v26  }
0xc3: {  	[tilespmem:$0x870] =	vst v29  }
0xc4: {  	[tilespmem:$0x880] =	vst v32  }
0xc5: {  	[tilespmem:$0x890] =	vst v35  }
0xc6: {  	[tilespmem:$0x8A0] =	vst v38  }
0xc7: {  	[tilespmem:$0x8B0] =	vst v41  }
0xc8: {  	[tilespmem:$0x8C0] =	vst v44  }
0xc9: {  	[tilespmem:$0x8D0] =	vst v47  }
0xca: {  	[tilespmem:$0x8E0] =	vst v48;
	v49 =	vpop (erf)  }
0xcb: {  	[tilespmem:$0x8F0] =	vst v49  }
0xcc: {  	[hbm4b:s8+s3] =	stream.linear.scatter [tilespmem:s21], [sflag:$0x5], $0x100, $0x38;
	[tilespmem:$0xA00] =	vst v63  }
0xcd: {  	_ =	swait.ge [sflag:s22], $0x100  }
0xce: {  	[sflag:s22] =	ssyncset.done $0x0  }
0xcf: {  	[sflag:s22] =	ssyncadd.s32 $0xFFFFFF00  }
0xd0: {  	_ =	swait.ge [sflag:s22], $0x100  }
0xd1: {  	[sflag:s22] =	ssyncset.done $0x0  }
0xd2: {  	[sflag:s22] =	ssyncadd.s32 $0xFFFFFF00  }
0xd3: {  	v50 =	vld [tilespmem:$0x700]  }
0xd4: {  	v51 =	vld [tilespmem:$0x500];
	_ =	sdelay $0x4  }
0xd5: {  	v0 =	vsub.f32 v50, v51;
	_ =	sdelay $0x1  }
0xd6: {  	v0 =	vmul.f32 $2.197224650e-03, v0;
	_ =	sdelay $0x1  }
0xd7: {  	v0 =	vmul.f32 $1.442695020e+00, v0;
	_ =	sdelay $0x1  }
0xd8: {  	(erf) = vpow2.f32 v0  }
0xd9: {  	v52 =	vld [tilespmem:$0x710]  }
0xda: {  	v53 =	vld [tilespmem:$0x510];
	_ =	sdelay $0x4  }
0xdb: {  	v0 =	vsub.f32 v52, v53;
	_ =	sdelay $0x1  }
0xdc: {  	v0 =	vmul.f32 $2.197224650e-03, v0;
	v54 =	vpop (erf)  }
0xdd: {  	v1 =	vadd.f32 $1.000000000e+00, v54  }
0xde: {  	v0 =	vmul.f32 $1.442695020e+00, v0  }
0xdf: {  	(erf) = vrcp.f32 v1  }
0xe0: {  	(erf) = vpow2.f32 v0  }
0xe1: {  	v55 =	vld [tilespmem:$0x720]  }
0xe2: {  	v56 =	vld [tilespmem:$0x520];
	_ =	sdelay $0x4  }
0xe3: {  	v1 =	vsub.f32 v55, v56  }
0xe4: {  	v0 =	vpop (erf)  }
0xe5: {  	v1 =	vmul.f32 $2.197224650e-03, v1;
	v57 =	vpop (erf)  }
0xe6: {  	v2 =	vadd.f32 $1.000000000e+00, v57  }
0xe7: {  	v1 =	vmul.f32 $1.442695020e+00, v1  }
0xe8: {  	(erf) = vrcp.f32 v2  }
0xe9: {  	(erf) = vpow2.f32 v1  }
0xea: {  	v58 =	vld [tilespmem:$0x730]  }
0xeb: {  	v59 =	vld [tilespmem:$0x530];
	_ =	sdelay $0x4  }
0xec: {  	v2 =	vsub.f32 v58, v59  }
0xed: {  	v1 =	vpop (erf)  }
0xee: {  	v2 =	vmul.f32 $2.197224650e-03, v2;
	v60 =	vpop (erf)  }
0xef: {  	v3 =	vadd.f32 $1.000000000e+00, v60  }
0xf0: {  	v2 =	vmul.f32 $1.442695020e+00, v2  }
0xf1: {  	(erf) = vrcp.f32 v3  }
0xf2: {  	(erf) = vpow2.f32 v2  }
0xf3: {  	v61 =	vld [tilespmem:$0x740]  }
0xf4: {  	v62 =	vld [tilespmem:$0x540];
	_ =	sdelay $0x4  }
0xf5: {  	v2 =	vsub.f32 v61, v62  }
0xf6: {  	v63 =	vpop (erf)  }
0xf7: {  	v2 =	vmul.f32 $2.197224650e-03, v2;
	v16 =	vpop (erf)  }
0xf8: {  	v4 =	vadd.f32 $1.000000000e+00, v16  }
0xf9: {  	v2 =	vmul.f32 $1.442695020e+00, v2  }
0xfa: {  	(erf) = vrcp.f32 v4  }
0xfb: {  	(erf) = vpow2.f32 v2  }
0xfc: {  	v17 =	vld [tilespmem:$0x750]  }
0xfd: {  	v18 =	vld [tilespmem:$0x550];
	_ =	sdelay $0x4  }
0xfe: {  	v2 =	vsub.f32 v17, v18  }
0xff: {  	v19 =	vpop (erf)  }
0x100: {  	v2 =	vmul.f32 $2.197224650e-03, v2;
	v20 =	vpop (erf)  }
0x101: {  	v5 =	vadd.f32 $1.000000000e+00, v20  }
0x102: {  	v2 =	vmul.f32 $1.442695020e+00, v2  }
0x103: {  	(erf) = vrcp.f32 v5  }
0x104: {  	(erf) = vpow2.f32 v2  }
0x105: {  	v21 =	vld [tilespmem:$0x760]  }
0x106: {  	v22 =	vld [tilespmem:$0x560];
	_ =	sdelay $0x4  }
0x107: {  	v2 =	vsub.f32 v21, v22  }
0x108: {  	v23 =	vpop (erf)  }
0x109: {  	v2 =	vmul.f32 $2.197224650e-03, v2;
	v24 =	vpop (erf)  }
0x10a: {  	v6 =	vadd.f32 $1.000000000e+00, v24  }
0x10b: {  	v2 =	vmul.f32 $1.442695020e+00, v2  }
0x10c: {  	(erf) = vrcp.f32 v6  }
0x10d: {  	(erf) = vpow2.f32 v2  }
0x10e: {  	v25 =	vld [tilespmem:$0x770]  }
0x10f: {  	v26 =	vld [tilespmem:$0x570];
	_ =	sdelay $0x4  }
0x110: {  	v2 =	vsub.f32 v25, v26  }
0x111: {  	v27 =	vpop (erf)  }
0x112: {  	v2 =	vmul.f32 $2.197224650e-03, v2;
	v28 =	vpop (erf)  }
0x113: {  	v7 =	vadd.f32 $1.000000000e+00, v28  }
0x114: {  	v2 =	vmul.f32 $1.442695020e+00, v2  }
0x115: {  	(erf) = vrcp.f32 v7  }
0x116: {  	(erf) = vpow2.f32 v2  }
0x117: {  	v29 =	vld [tilespmem:$0x780]  }
0x118: {  	v30 =	vld [tilespmem:$0x580];
	_ =	sdelay $0x4  }
0x119: {  	v2 =	vsub.f32 v29, v30  }
0x11a: {  	v31 =	vpop (erf)  }
0x11b: {  	v2 =	vmul.f32 $2.197224650e-03, v2;
	v32 =	vpop (erf)  }
0x11c: {  	v8 =	vadd.f32 $1.000000000e+00, v32  }
0x11d: {  	v2 =	vmul.f32 $1.442695020e+00, v2  }
0x11e: {  	(erf) = vrcp.f32 v8  }
0x11f: {  	(erf) = vpow2.f32 v2  }
0x120: {  	v33 =	vld [tilespmem:$0x790]  }
0x121: {  	v34 =	vld [tilespmem:$0x590];
	_ =	sdelay $0x4  }
0x122: {  	v2 =	vsub.f32 v33, v34  }
0x123: {  	v35 =	vpop (erf)  }
0x124: {  	v2 =	vmul.f32 $2.197224650e-03, v2;
	v36 =	vpop (erf)  }
0x125: {  	v9 =	vadd.f32 $1.000000000e+00, v36  }
0x126: {  	v2 =	vmul.f32 $1.442695020e+00, v2  }
0x127: {  	(erf) = vrcp.f32 v9  }
0x128: {  	(erf) = vpow2.f32 v2  }
0x129: {  	v37 =	vld [tilespmem:$0x7A0]  }
0x12a: {  	v38 =	vld [tilespmem:$0x5A0];
	_ =	sdelay $0x4  }
0x12b: {  	v2 =	vsub.f32 v37, v38  }
0x12c: {  	v39 =	vpop (erf)  }
0x12d: {  	v2 =	vmul.f32 $2.197224650e-03, v2;
	v40 =	vpop (erf)  }
0x12e: {  	v10 =	vadd.f32 $1.000000000e+00, v40  }
0x12f: {  	v2 =	vmul.f32 $1.442695020e+00, v2  }
0x130: {  	(erf) = vrcp.f32 v10  }
0x131: {  	(erf) = vpow2.f32 v2  }
0x132: {  	v41 =	vld [tilespmem:$0x7B0]  }
0x133: {  	v42 =	vld [tilespmem:$0x5B0];
	_ =	sdelay $0x4  }
0x134: {  	v2 =	vsub.f32 v41, v42  }
0x135: {  	v43 =	vpop (erf)  }
0x136: {  	v2 =	vmul.f32 $2.197224650e-03, v2;
	v44 =	vpop (erf)  }
0x137: {  	v11 =	vadd.f32 $1.000000000e+00, v44  }
0x138: {  	v2 =	vmul.f32 $1.442695020e+00, v2  }
0x139: {  	(erf) = vrcp.f32 v11  }
0x13a: {  	(erf) = vpow2.f32 v2  }
0x13b: {  	v45 =	vld [tilespmem:$0x7C0]  }
0x13c: {  	v46 =	vld [tilespmem:$0x5C0];
	_ =	sdelay $0x4  }
0x13d: {  	v2 =	vsub.f32 v45, v46  }
0x13e: {  	v47 =	vpop (erf)  }
0x13f: {  	v2 =	vmul.f32 $2.197224650e-03, v2;
	v48 =	vpop (erf)  }
0x140: {  	v12 =	vadd.f32 $1.000000000e+00, v48  }
0x141: {  	v2 =	vmul.f32 $1.442695020e+00, v2  }
0x142: {  	(erf) = vrcp.f32 v12  }
0x143: {  	(erf) = vpow2.f32 v2  }
0x144: {  	v49 =	vld [tilespmem:$0x7D0]  }
0x145: {  	v50 =	vld [tilespmem:$0x5D0];
	_ =	sdelay $0x4  }
0x146: {  	v2 =	vsub.f32 v49, v50  }
0x147: {  	v51 =	vpop (erf)  }
0x148: {  	v2 =	vmul.f32 $2.197224650e-03, v2;
	v52 =	vpop (erf)  }
0x149: {  	v13 =	vadd.f32 $1.000000000e+00, v52  }
0x14a: {  	v2 =	vmul.f32 $1.442695020e+00, v2  }
0x14b: {  	(erf) = vrcp.f32 v13  }
0x14c: {  	(erf) = vpow2.f32 v2  }
0x14d: {  	v53 =	vld [tilespmem:$0x7E0]  }
0x14e: {  	v54 =	vld [tilespmem:$0x5E0];
	_ =	sdelay $0x4  }
0x14f: {  	v2 =	vsub.f32 v53, v54  }
0x150: {  	v55 =	vpop (erf)  }
0x151: {  	v2 =	vmul.f32 $2.197224650e-03, v2;
	v56 =	vpop (erf)  }
0x152: {  	v14 =	vadd.f32 $1.000000000e+00, v56  }
0x153: {  	v2 =	vmul.f32 $1.442695020e+00, v2  }
0x154: {  	(erf) = vrcp.f32 v14  }
0x155: {  	(erf) = vpow2.f32 v2  }
0x156: {  	v57 =	vld [tilespmem:$0x7F0]  }
0x157: {  	v58 =	vld [tilespmem:$0x5F0];
	_ =	sdelay $0x4  }
0x158: {  	v2 =	vsub.f32 v57, v58  }
0x159: {  	v59 =	vpop (erf)  }
0x15a: {  	v2 =	vmul.f32 $2.197224650e-03, v2;
	v60 =	vpop (erf)  }
0x15b: {  	v15 =	vadd.f32 $1.000000000e+00, v60  }
0x15c: {  	v2 =	vmul.f32 $1.442695020e+00, v2  }
0x15d: {  	(erf) = vrcp.f32 v15  }
0x15e: {  	(erf) = vpow2.f32 v2;
	_ =	sdelay $0x6  }
0x15f: {  	[tilespmem:$0x900] =	vst v0  }
0x160: {  	[tilespmem:$0x910] =	vst v1;
	v61 =	vpop (erf)  }
0x161: {  	[tilespmem:$0x920] =	vst v63;
	v62 =	vpop (erf)  }
0x162: {  	[tilespmem:$0x930] =	vst v19;
	v1 =	vadd.f32 $1.000000000e+00, v62  }
0x163: {  	[tilespmem:$0x940] =	vst v23  }
0x164: {  	[tilespmem:$0x950] =	vst v27;
	(erf) = vrcp.f32 v1  }
0x165: {  	[tilespmem:$0x960] =	vst v31  }
0x166: {  	[tilespmem:$0x970] =	vst v35  }
0x167: {  	[tilespmem:$0x980] =	vst v39  }
0x168: {  	[tilespmem:$0x990] =	vst v43  }
0x169: {  	[tilespmem:$0x9A0] =	vst v47  }
0x16a: {  	[tilespmem:$0x9B0] =	vst v51  }
0x16b: {  	[tilespmem:$0x9C0] =	vst v55  }
0x16c: {  	[tilespmem:$0x9D0] =	vst v59  }
0x16d: {  	[tilespmem:$0x9E0] =	vst v61;
	v63 =	vpop (erf)  }
0x16e: {  	[tilespmem:$0x9F0] =	vst v63  }
0x16f: {  	[hbm4b:s9+s3] =	stream.linear.scatter [tilespmem:s23], [sflag:$0x5], $0x100, $0x38;
	[tilespmem:$0xA00] =	vst v63  }
0x170: {  	p0 =	sne.s32 s10, $0x1;
	_ =	swait.ge [sflag:s24], $0x100  }
.Ltmp0:
0x171: {  	[sflag:s24] =	ssyncset.done $0x0;
	(pc) =	sbr.rel @p0 .LBB2_1-.Ltmp0, $4  }
0x172: {  	[sflag:s24] =	ssyncadd.s32 $0xFFFFFF00  }
0x173: {  	_ =	swait.ge [sflag:s24], $0x100  }
0x174: {  	[sflag:s24] =	ssyncset.done $0x0  }
0x175: {  	s10 =	sadd.s32 $0xFFFFFFFF, s10;
	[sflag:s24] =	ssyncadd.s32 $0xFFFFFF00  }
0x176: {  	_ =	sfence.sel $0x180000  }
0x177: {  	[bflag:$0x0] =	sbarrier.arrive $0xFFFF  }
0x178: {  	p0 =	sne.s32 s2, $0x0;
	_ =	strace $0x90000047  }
0x179: {  	s0 =	sadd.s32 @!p0 $0x100000, s0;
	[bflag:$0x2] =	sbarrier.arrive $0xFFFF  }
0x17a: {  	[sflag:s0] =	ssyncadd.tile.s32 @!p0 $0x1;
	_ =	shalt  }
.Lfunc_end2:
_tile_overlayer_lowered:
.L_overlay_start_2:
0x17b: {  	(tag) =	ssettag $0x2  }
0x17c: {  	s0 =	rddreg [dreg:$0x0];
	s2 =	stileid.u32  }
0x17d: {  	s1 =	rddreg [dreg:$0x1];
	p0 =	sne.s32 s2, $0x0  }
0x17e: {  	s3 =	rddreg [dreg:$0x2];
	[bflag:$0x3] =	sbarrier.arrive $0xFFFF;
	s2 =	simm.s32 @!p0 $0x1C06  }
0x17f: {  	[timem:s3], [sflag:s2] =	dma.local @!p0 [hbm:s0], s1  }
0x180: {  	s0 =	simm.s32 @!p0 $0x6  }
0x181: {  	_ =	swait.ge @!p0 [sflag:s0], s1  }
0x182: {  	s1 =	ssub.s32 @!p0 $0x0, s1;
	[sflag:s0] =	ssyncset.done @!p0 $0x0  }
0x183: {  	[sflag:s0] =	ssyncadd.s32 @!p0 s1  }
0x184: {  	[bflag:$0x3] =	sbarrier.arrive $0xFFFF  }
0x185: {  	_ =	shalt  }

</sc_bundles>
